<compile_context>
chip_gen: v7x
topology: tpu7x:2x2x1
jax: 0.10.2.dev20260603
libtpu: 0.0.44.dev20260713+nightly
codegen_flags: <defaults>
</compile_context>

<pallas_src>
import jax
import jax.numpy as jnp
from jax import lax
from jax.experimental import pallas as pl
from jax.experimental.pallas import tpu as pltpu
from jax.experimental.pallas import tpu_sc as plsc
from functools import partial

B, N, S = 8, 4096, 1024
C1, C2 = 128, 256
M1, M2 = 256, 128
NBLK = 2048
NB = N // NBLK
P = B * N
CNT = float(P)
EPS = 1e-5

NW = 32
PW = P // NW
CP = 64
NCH = PW // CP


def _pass_gt(feats2t_ref, w1at_ref, gt_ref):
    gt_ref[...] = jnp.dot(feats2t_ref[0], w1at_ref[...],
                          preferred_element_type=jnp.float32)


def _pass_sel(xyz1_ref, xyz2t_ref, idx_ref, w_ref):
    b_i = pl.program_id(0)

    aq = xyz1_ref[0]
    bb = xyz2t_ref[0]
    a2 = jnp.sum(aq * aq, axis=1)
    b2 = jnp.sum(bb * bb, axis=0)
    abn = jnp.dot(aq.astype(jnp.bfloat16),
                  (-2.0 * bb).astype(jnp.bfloat16),
                  preferred_element_type=jnp.float32)
    d2 = (a2[:, None] + b2[None, :]) + abn

    iota1 = lax.broadcasted_iota(jnp.int32, (NBLK, S), 1)
    idxs, ws = [], []
    for k in range(3):
        m2 = jnp.min(d2, axis=1)
        sel = d2 == m2[:, None]
        idx = jnp.min(jnp.where(sel, iota1, S), axis=1)
        idxs.append(idx)
        ws.append(jnp.minimum(lax.rsqrt(jnp.maximum(m2, 0.0)), 1e8))
        if k < 2:
            d2 = jnp.where(iota1 == idx[:, None], jnp.float32(jnp.inf), d2)

    rws = 1.0 / (ws[0] + ws[1] + ws[2])
    for k in range(3):
        idx_ref[k] = idxs[k] + b_i * S
        wn = ws[k] * rws
        w_ref[k] = jnp.broadcast_to(wn[:, None], (NBLK, 16))


def _sc_body(gt_ref, idx_ref, wv_ref, out_ref,
             i0_v, i1_v, i2_v, r0_v, r1_v, r2_v,
             w0_v, w1_v, w2_v, o_v, sem):
    wid = lax.axis_index("s") * 2 + lax.axis_index("c")
    base0 = wid * PW

    def chunk(c, carry):
        base = base0 + c * CP
        pltpu.sync_copy(idx_ref.at[0, pl.ds(base, CP)], i0_v)
        pltpu.sync_copy(idx_ref.at[1, pl.ds(base, CP)], i1_v)
        pltpu.sync_copy(idx_ref.at[2, pl.ds(base, CP)], i2_v)
        pltpu.sync_copy(wv_ref.at[0, pl.ds(base, CP), :], w0_v)
        pltpu.sync_copy(wv_ref.at[1, pl.ds(base, CP), :], w1_v)
        pltpu.sync_copy(wv_ref.at[2, pl.ds(base, CP), :], w2_v)
        c0 = pltpu.async_copy(gt_ref.at[i0_v], r0_v, sem)
        c1 = pltpu.async_copy(gt_ref.at[i1_v], r1_v, sem)
        c2 = pltpu.async_copy(gt_ref.at[i2_v], r2_v, sem)
        c0.wait()
        c1.wait()
        c2.wait()

        def point(p, cc):
            w0 = w0_v[p, :]
            w1 = w1_v[p, :]
            w2 = w2_v[p, :]
            for d in range(M1 // 16):
                sl = pl.ds(d * 16, 16)
                o_v[p, sl] = (r0_v[p, sl] * w0 + r1_v[p, sl] * w1
                              + r2_v[p, sl] * w2)
            return cc

        lax.fori_loop(0, CP, point, 0)
        pltpu.sync_copy(o_v, out_ref.at[pl.ds(base, CP), :])
        return carry

    lax.fori_loop(0, NCH, chunk, 0)


def _sc_gather(gt, idx3, w3):
    mesh = plsc.VectorSubcoreMesh(core_axis_name="c", subcore_axis_name="s")
    fn = partial(
        pl.kernel,
        mesh=mesh,
        out_type=jax.ShapeDtypeStruct((P, M1), jnp.float32),
        scratch_types=[
            pltpu.VMEM((CP,), jnp.int32),
            pltpu.VMEM((CP,), jnp.int32),
            pltpu.VMEM((CP,), jnp.int32),
            pltpu.VMEM((CP, M1), jnp.float32),
            pltpu.VMEM((CP, M1), jnp.float32),
            pltpu.VMEM((CP, M1), jnp.float32),
            pltpu.VMEM((CP, 16), jnp.float32),
            pltpu.VMEM((CP, 16), jnp.float32),
            pltpu.VMEM((CP, 16), jnp.float32),
            pltpu.VMEM((CP, M1), jnp.float32),
            pltpu.SemaphoreType.DMA,
        ],
    )(_sc_body)
    return fn(gt, idx3, w3)


def _pass_asm(interp_ref, feats1_ref, w1b_ref, b1_ref,
              y1_ref, s1_ref, ss1_ref):
    b_i = pl.program_id(0)
    n_i = pl.program_id(1)
    it = interp_ref[...]
    y = (jnp.transpose(it)
         + jnp.dot(w1b_ref[...], feats1_ref[0],
                   preferred_element_type=jnp.float32)
         + b1_ref[0][:, None])
    y1_ref[0] = y

    ps = jnp.sum(y, axis=1)
    pss = jnp.sum(y * y, axis=1)
    first = jnp.logical_and(b_i == 0, n_i == 0)

    @pl.when(first)
    def _():
        s1_ref[0] = ps
        ss1_ref[0] = pss

    @pl.when(jnp.logical_not(first))
    def _():
        s1_ref[0] += ps
        ss1_ref[0] += pss


def _pass_b(y1_ref, s1_ref, ss1_ref, g1_ref, be1_ref, w2_ref, b2_ref,
            y2_ref, s2_ref, ss2_ref):
    b_i = pl.program_id(0)
    n_i = pl.program_id(1)
    mean = s1_ref[0] / CNT
    var = ss1_ref[0] / CNT - mean * mean
    rstd = lax.rsqrt(var + EPS)
    scale = rstd * g1_ref[0]
    shift = be1_ref[0] - mean * scale
    z = jnp.maximum(y1_ref[0] * scale[:, None] + shift[:, None], 0.0)
    y = (jnp.dot(w2_ref[...], z, preferred_element_type=jnp.float32)
         + b2_ref[0][:, None])
    y2_ref[0] = y

    ps = jnp.sum(y, axis=1)
    pss = jnp.sum(y * y, axis=1)
    first = jnp.logical_and(b_i == 0, n_i == 0)

    @pl.when(first)
    def _():
        s2_ref[0] = ps
        ss2_ref[0] = pss

    @pl.when(jnp.logical_not(first))
    def _():
        s2_ref[0] += ps
        ss2_ref[0] += pss


def _pass_c(y2_ref, s2_ref, ss2_ref, g2_ref, be2_ref, out_ref):
    mean = s2_ref[0] / CNT
    var = ss2_ref[0] / CNT - mean * mean
    rstd = lax.rsqrt(var + EPS)
    scale = rstd * g2_ref[0]
    shift = be2_ref[0] - mean * scale
    out_ref[0] = jnp.maximum(y2_ref[0] * scale[:, None] + shift[:, None], 0.0)


def kernel(xyz1, xyz2, feats1, feats2, W1, b1, g1, be1, W2, b2, g2, be2):
    xyz2t = jnp.transpose(xyz2, (0, 2, 1))
    f2t = jnp.transpose(feats2, (0, 2, 1))
    w1at = jnp.transpose(W1[:, :C2])
    w1b = W1[:, C2:]
    b1r = b1.reshape(1, M1)
    g1r = g1.reshape(1, M1)
    be1r = be1.reshape(1, M1)
    b2r = b2.reshape(1, M2)
    g2r = g2.reshape(1, M2)
    be2r = be2.reshape(1, M2)

    gt = pl.pallas_call(
        _pass_gt,
        grid=(B,),
        in_specs=[
            pl.BlockSpec((1, S, C2), lambda b: (b, 0, 0)),
            pl.BlockSpec((C2, M1), lambda b: (0, 0)),
        ],
        out_specs=pl.BlockSpec((S, M1), lambda b: (b, 0)),
        out_shape=jax.ShapeDtypeStruct((B * S, M1), jnp.float32),
    )(f2t, w1at)

    idx3, w3 = pl.pallas_call(
        _pass_sel,
        grid=(B, NB),
        in_specs=[
            pl.BlockSpec((1, NBLK, 3), lambda b, n: (b, n, 0)),
            pl.BlockSpec((1, 3, S), lambda b, n: (b, 0, 0)),
        ],
        out_specs=[
            pl.BlockSpec((3, NBLK), lambda b, n: (0, b * NB + n)),
            pl.BlockSpec((3, NBLK, 16), lambda b, n: (0, b * NB + n, 0)),
        ],
        out_shape=[
            jax.ShapeDtypeStruct((3, P), jnp.int32),
            jax.ShapeDtypeStruct((3, P, 16), jnp.float32),
        ],
    )(xyz1, xyz2t)

    interp = _sc_gather(gt, idx3, w3)

    y1, s1, ss1 = pl.pallas_call(
        _pass_asm,
        grid=(B, NB),
        in_specs=[
            pl.BlockSpec((NBLK, M1), lambda b, n: (b * NB + n, 0)),
            pl.BlockSpec((1, C1, NBLK), lambda b, n: (b, 0, n)),
            pl.BlockSpec((M1, C1), lambda b, n: (0, 0)),
            pl.BlockSpec((1, M1), lambda b, n: (0, 0)),
        ],
        out_specs=[
            pl.BlockSpec((1, M1, NBLK), lambda b, n: (b, 0, n)),
            pl.BlockSpec((1, M1), lambda b, n: (0, 0)),
            pl.BlockSpec((1, M1), lambda b, n: (0, 0)),
        ],
        out_shape=[
            jax.ShapeDtypeStruct((B, M1, N), jnp.float32),
            jax.ShapeDtypeStruct((1, M1), jnp.float32),
            jax.ShapeDtypeStruct((1, M1), jnp.float32),
        ],
    )(interp, feats1, w1b, b1r)

    y2, s2, ss2 = pl.pallas_call(
        _pass_b,
        grid=(B, NB),
        in_specs=[
            pl.BlockSpec((1, M1, NBLK), lambda b, n: (b, 0, n)),
            pl.BlockSpec((1, M1), lambda b, n: (0, 0)),
            pl.BlockSpec((1, M1), lambda b, n: (0, 0)),
            pl.BlockSpec((1, M1), lambda b, n: (0, 0)),
            pl.BlockSpec((1, M1), lambda b, n: (0, 0)),
            pl.BlockSpec((M2, M1), lambda b, n: (0, 0)),
            pl.BlockSpec((1, M2), lambda b, n: (0, 0)),
        ],
        out_specs=[
            pl.BlockSpec((1, M2, NBLK), lambda b, n: (b, 0, n)),
            pl.BlockSpec((1, M2), lambda b, n: (0, 0)),
            pl.BlockSpec((1, M2), lambda b, n: (0, 0)),
        ],
        out_shape=[
            jax.ShapeDtypeStruct((B, M2, N), jnp.float32),
            jax.ShapeDtypeStruct((1, M2), jnp.float32),
            jax.ShapeDtypeStruct((1, M2), jnp.float32),
        ],
    )(y1, s1, ss1, g1r, be1r, W2, b2r)

    out = pl.pallas_call(
        _pass_c,
        grid=(B, NB),
        in_specs=[
            pl.BlockSpec((1, M2, NBLK), lambda b, n: (b, 0, n)),
            pl.BlockSpec((1, M2), lambda b, n: (0, 0)),
            pl.BlockSpec((1, M2), lambda b, n: (0, 0)),
            pl.BlockSpec((1, M2), lambda b, n: (0, 0)),
            pl.BlockSpec((1, M2), lambda b, n: (0, 0)),
        ],
        out_specs=pl.BlockSpec((1, M2, NBLK), lambda b, n: (b, 0, n)),
        out_shape=jax.ShapeDtypeStruct((B, M2, N), jnp.float32),
    )(y2, s2, ss2, g2r, be2r)

    return out

# --- scband reference (transcript-rebuilt; emitter-appended) ---
"""Pipeline reference for scband-fp-layer-22531398435377 (READ-ONLY COPY).

The authoritative reference and input builder live on the scoring server;
editing this copy changes nothing except your own understanding.
"""

import jax, jax.numpy as jnp
import numpy as np

B, N, S = 8, 4096, 1024
C1, C2 = 128, 256
M1, M2 = 256, 128
IN_CH = C1 + C2


def setup_inputs(seed: int = 0) -> dict:
    key = jax.random.key(seed)
    ks = jax.random.split(key, 12)
    return {
        "xyz1": jax.random.normal(ks[0], (B, N, 3), dtype=jnp.float32),
        "xyz2": jax.random.normal(ks[1], (B, S, 3), dtype=jnp.float32),
        "feats1": jax.random.normal(ks[2], (B, C1, N), dtype=jnp.float32),
        "feats2": jax.random.normal(ks[3], (B, C2, S), dtype=jnp.float32),
        "W1": jax.random.normal(ks[4], (M1, IN_CH), dtype=jnp.float32) * 0.05,
        "b1": jnp.zeros((M1,), dtype=jnp.float32),
        "g1": jnp.ones((M1,), dtype=jnp.float32),
        "be1": jnp.zeros((M1,), dtype=jnp.float32),
        "W2": jax.random.normal(ks[5], (M2, M1), dtype=jnp.float32) * 0.05,
        "b2": jnp.zeros((M2,), dtype=jnp.float32),
        "g2": jnp.ones((M2,), dtype=jnp.float32),
        "be2": jnp.zeros((M2,), dtype=jnp.float32),
    }


def _cdist(a, b):
    # a: (B, N, 3), b: (B, S, 3) -> (B, N, S)
    a2 = jnp.sum(a * a, axis=-1, keepdims=True)            # (B, N, 1)
    b2 = jnp.sum(b * b, axis=-1, keepdims=True)            # (B, S, 1)
    d2 = a2 + jnp.transpose(b2, (0, 2, 1)) - 2.0 * jnp.einsum('bnd,bsd->bns', a, b)
    return jnp.sqrt(jnp.maximum(d2, 0.0))


def three_nn_interp(xyz1, xyz2, feats2, k=3):
    d = _cdist(xyz1, xyz2)
    d = jnp.maximum(d, 1e-8)
    neg_d, knn_i = jax.lax.top_k(-d, k)                    # smallest k distances
    knn_d = -neg_d                                         # (B, N, k)
    w = 1.0 / knn_d
    w = w / jnp.sum(w, axis=-1, keepdims=True)
    f2 = jnp.transpose(feats2, (0, 2, 1))                  # (B, S, C2)
    bidx = jnp.arange(f2.shape[0])[:, None, None]
    neigh = f2[bidx, knn_i]                                # (B, N, k, C2) gather
    out = jnp.sum(w[..., None] * neigh, axis=2)            # (B, N, C2)
    return jnp.transpose(out, (0, 2, 1))                   # (B, C2, N)


def _bn_train(x, gamma, beta, eps=1e-5):
    # BatchNorm1d in training mode: batch statistics over (B, N) per channel
    mean = jnp.mean(x, axis=(0, 2), keepdims=True)
    var = jnp.var(x, axis=(0, 2), keepdims=True)
    xh = (x - mean) / jnp.sqrt(var + eps)
    return xh * gamma[None, :, None] + beta[None, :, None]


def reference(xyz1, xyz2, feats1, feats2, W1, b1, g1, be1, W2, b2, g2, be2):
    # three_nn_interp is under @torch.no_grad() in the original
    interp = jax.lax.stop_gradient(three_nn_interp(xyz1, xyz2, feats2))
    x = jnp.concatenate([interp, feats1], axis=1)          # (B, C2+C1, N)
    x = jnp.einsum('oc,bcn->bon', W1, x) + b1[None, :, None]
    x = jax.nn.relu(_bn_train(x, g1, be1))
    x = jnp.einsum('oc,bcn->bon', W2, x) + b2[None, :, None]
    x = jax.nn.relu(_bn_train(x, g2, be2))
    return x

if __name__ == "__main__":
    import jax
    _d = setup_inputs()
    print(jax.jit(kernel)(*tuple(_d.values())))

</pallas_src>

<mosaic_0001>
#map = affine_map<(d0, d1) -> (0, 0)>
#map1 = affine_map<(d0, d1) -> (0, 0, 0)>
module attributes {stable_mosaic.version = 14 : i64} {
  func.func @_sc_body(%arg0: i32, %arg1: i32, %arg2: memref<8192x256xf32, #tpu.memory_space<hbm>>, %arg3: memref<3x32768xi32, #tpu.memory_space<hbm>>, %arg4: memref<3x32768x16xf32, #tpu.memory_space<hbm>>, %arg5: memref<32768x256xf32, #tpu.memory_space<hbm>>, %arg6: memref<64xi32, #tpu.memory_space<vmem>>, %arg7: memref<64xi32, #tpu.memory_space<vmem>>, %arg8: memref<64xi32, #tpu.memory_space<vmem>>, %arg9: memref<64x256xf32, #tpu.memory_space<vmem>>, %arg10: memref<64x256xf32, #tpu.memory_space<vmem>>, %arg11: memref<64x256xf32, #tpu.memory_space<vmem>>, %arg12: memref<64x16xf32, #tpu.memory_space<vmem>>, %arg13: memref<64x16xf32, #tpu.memory_space<vmem>>, %arg14: memref<64x16xf32, #tpu.memory_space<vmem>>, %arg15: memref<64x256xf32, #tpu.memory_space<vmem>>, %arg16: memref<!tpu.dma_semaphore, #tpu.memory_space<semaphore_mem>>) attributes {dimension_semantics = [#tpu.dimension_semantics<core_parallel>, #tpu.dimension_semantics<subcore_parallel>], iteration_bounds = array<i64: 2, 16>, scalar_prefetch = 0 : i64, scratch_operands = 11 : i64, tpu.core_type = #tpu.core_type<sc_vector_subcore>, window_params = [{transform_indices = #map}, {transform_indices = #map}, {transform_indices = #map1}, {transform_indices = #map}]} {
    %mul3A = arith.constant 2 : i32
    %mul3A_0 = arith.muli %arg1, %mul3A : i32
    %add3A = arith.addi %mul3A_0, %arg0 : i32
    %mul3A_1 = arith.constant 1024 : i32
    %mul3A_2 = arith.muli %add3A, %mul3A_1 : i32
    %scan3A = arith.constant 0 : i32
    %scan3A_3 = arith.constant 0 : i32
    %scan3A_4 = arith.constant 16 : i32
    %scan3A_5 = arith.addi %scan3A_3, %scan3A_4 : i32
    %scan3A_6 = arith.constant 1 : i32
    scf.for %scan3A_8 = %scan3A_3 to %scan3A_5 step %scan3A_6  : i32 {
      %mul3A_9 = arith.constant 64 : i32
      %mul3A_10 = arith.muli %scan3A_8, %mul3A_9 : i32
      %add3A_11 = arith.addi %mul3A_2, %mul3A_10 : i32
      %run_scoped3A = arith.constant 0 : i32
      "tpu.region"() ({
        %run_scoped3A_39 = tpu.sem_alloc : memref<!tpu.dma_semaphore, #tpu.memory_space<semaphore_mem>>
        %dma_start3A_40 = tpu.memref_slice %arg3[%run_scoped3A, %add3A_11] : memref<3x32768xi32, #tpu.memory_space<hbm>> -> memref<1x64xi32, #tpu.memory_space<hbm>>
        %dma_start3A_41 = tpu.memref_squeeze %dma_start3A_40 : memref<1x64xi32, #tpu.memory_space<hbm>> -> memref<64xi32, #tpu.memory_space<hbm>>
        %dma_start3A_42 = tpu.memref_slice %arg3[%run_scoped3A, %add3A_11] : memref<3x32768xi32, #tpu.memory_space<hbm>> -> memref<1x64xi32, #tpu.memory_space<hbm>>
        %dma_start3A_43 = tpu.memref_squeeze %dma_start3A_42 : memref<1x64xi32, #tpu.memory_space<hbm>> -> memref<64xi32, #tpu.memory_space<hbm>>
        tpu.enqueue_dma source(%dma_start3A_43 : memref<64xi32, #tpu.memory_space<hbm>>) target(%arg6 : memref<64xi32, #tpu.memory_space<vmem>>) target_semaphore(%run_scoped3A_39 : memref<!tpu.dma_semaphore, #tpu.memory_space<semaphore_mem>>)
        %dma_wait3A_44 = tpu.memref_slice %arg3[%run_scoped3A, %add3A_11] : memref<3x32768xi32, #tpu.memory_space<hbm>> -> memref<1x64xi32, #tpu.memory_space<hbm>>
        %dma_wait3A_45 = tpu.memref_squeeze %dma_wait3A_44 : memref<1x64xi32, #tpu.memory_space<hbm>> -> memref<64xi32, #tpu.memory_space<hbm>>
        %dma_wait3A_46 = tpu.memref_slice %arg3[%run_scoped3A, %add3A_11] : memref<3x32768xi32, #tpu.memory_space<hbm>> -> memref<1x64xi32, #tpu.memory_space<hbm>>
        %dma_wait3A_47 = tpu.memref_squeeze %dma_wait3A_46 : memref<1x64xi32, #tpu.memory_space<hbm>> -> memref<64xi32, #tpu.memory_space<hbm>>
        tpu.wait_dma2 semaphore(%run_scoped3A_39 : memref<!tpu.dma_semaphore, #tpu.memory_space<semaphore_mem>>) src(%dma_wait3A_47 : memref<64xi32, #tpu.memory_space<hbm>>) dst(%arg6 : memref<64xi32, #tpu.memory_space<vmem>>)
        tpu.yield
      }) : () -> ()
      %run_scoped3A_12 = arith.constant 1 : i32
      "tpu.region"() ({
        %run_scoped3A_39 = tpu.sem_alloc : memref<!tpu.dma_semaphore, #tpu.memory_space<semaphore_mem>>
        %dma_start3A_40 = tpu.memref_slice %arg3[%run_scoped3A_12, %add3A_11] : memref<3x32768xi32, #tpu.memory_space<hbm>> -> memref<1x64xi32, #tpu.memory_space<hbm>>
        %dma_start3A_41 = tpu.memref_squeeze %dma_start3A_40 : memref<1x64xi32, #tpu.memory_space<hbm>> -> memref<64xi32, #tpu.memory_space<hbm>>
        %dma_start3A_42 = tpu.memref_slice %arg3[%run_scoped3A_12, %add3A_11] : memref<3x32768xi32, #tpu.memory_space<hbm>> -> memref<1x64xi32, #tpu.memory_space<hbm>>
        %dma_start3A_43 = tpu.memref_squeeze %dma_start3A_42 : memref<1x64xi32, #tpu.memory_space<hbm>> -> memref<64xi32, #tpu.memory_space<hbm>>
        tpu.enqueue_dma source(%dma_start3A_43 : memref<64xi32, #tpu.memory_space<hbm>>) target(%arg7 : memref<64xi32, #tpu.memory_space<vmem>>) target_semaphore(%run_scoped3A_39 : memref<!tpu.dma_semaphore, #tpu.memory_space<semaphore_mem>>)
        %dma_wait3A_44 = tpu.memref_slice %arg3[%run_scoped3A_12, %add3A_11] : memref<3x32768xi32, #tpu.memory_space<hbm>> -> memref<1x64xi32, #tpu.memory_space<hbm>>
        %dma_wait3A_45 = tpu.memref_squeeze %dma_wait3A_44 : memref<1x64xi32, #tpu.memory_space<hbm>> -> memref<64xi32, #tpu.memory_space<hbm>>
        %dma_wait3A_46 = tpu.memref_slice %arg3[%run_scoped3A_12, %add3A_11] : memref<3x32768xi32, #tpu.memory_space<hbm>> -> memref<1x64xi32, #tpu.memory_space<hbm>>
        %dma_wait3A_47 = tpu.memref_squeeze %dma_wait3A_46 : memref<1x64xi32, #tpu.memory_space<hbm>> -> memref<64xi32, #tpu.memory_space<hbm>>
        tpu.wait_dma2 semaphore(%run_scoped3A_39 : memref<!tpu.dma_semaphore, #tpu.memory_space<semaphore_mem>>) src(%dma_wait3A_47 : memref<64xi32, #tpu.memory_space<hbm>>) dst(%arg7 : memref<64xi32, #tpu.memory_space<vmem>>)
        tpu.yield
      }) : () -> ()
      %run_scoped3A_13 = arith.constant 2 : i32
      "tpu.region"() ({
        %run_scoped3A_39 = tpu.sem_alloc : memref<!tpu.dma_semaphore, #tpu.memory_space<semaphore_mem>>
        %dma_start3A_40 = tpu.memref_slice %arg3[%run_scoped3A_13, %add3A_11] : memref<3x32768xi32, #tpu.memory_space<hbm>> -> memref<1x64xi32, #tpu.memory_space<hbm>>
        %dma_start3A_41 = tpu.memref_squeeze %dma_start3A_40 : memref<1x64xi32, #tpu.memory_space<hbm>> -> memref<64xi32, #tpu.memory_space<hbm>>
        %dma_start3A_42 = tpu.memref_slice %arg3[%run_scoped3A_13, %add3A_11] : memref<3x32768xi32, #tpu.memory_space<hbm>> -> memref<1x64xi32, #tpu.memory_space<hbm>>
        %dma_start3A_43 = tpu.memref_squeeze %dma_start3A_42 : memref<1x64xi32, #tpu.memory_space<hbm>> -> memref<64xi32, #tpu.memory_space<hbm>>
        tpu.enqueue_dma source(%dma_start3A_43 : memref<64xi32, #tpu.memory_space<hbm>>) target(%arg8 : memref<64xi32, #tpu.memory_space<vmem>>) target_semaphore(%run_scoped3A_39 : memref<!tpu.dma_semaphore, #tpu.memory_space<semaphore_mem>>)
        %dma_wait3A_44 = tpu.memref_slice %arg3[%run_scoped3A_13, %add3A_11] : memref<3x32768xi32, #tpu.memory_space<hbm>> -> memref<1x64xi32, #tpu.memory_space<hbm>>
        %dma_wait3A_45 = tpu.memref_squeeze %dma_wait3A_44 : memref<1x64xi32, #tpu.memory_space<hbm>> -> memref<64xi32, #tpu.memory_space<hbm>>
        %dma_wait3A_46 = tpu.memref_slice %arg3[%run_scoped3A_13, %add3A_11] : memref<3x32768xi32, #tpu.memory_space<hbm>> -> memref<1x64xi32, #tpu.memory_space<hbm>>
        %dma_wait3A_47 = tpu.memref_squeeze %dma_wait3A_46 : memref<1x64xi32, #tpu.memory_space<hbm>> -> memref<64xi32, #tpu.memory_space<hbm>>
        tpu.wait_dma2 semaphore(%run_scoped3A_39 : memref<!tpu.dma_semaphore, #tpu.memory_space<semaphore_mem>>) src(%dma_wait3A_47 : memref<64xi32, #tpu.memory_space<hbm>>) dst(%arg8 : memref<64xi32, #tpu.memory_space<vmem>>)
        tpu.yield
      }) : () -> ()
      %run_scoped3A_14 = arith.constant 0 : i32
      "tpu.region"() ({
        %run_scoped3A_39 = tpu.sem_alloc : memref<!tpu.dma_semaphore, #tpu.memory_space<semaphore_mem>>
        %dma_start3A_40 = arith.constant 0 : i32
        %dma_start3A_41 = tpu.memref_slice %arg4[%run_scoped3A_14, %add3A_11, %dma_start3A_40] : memref<3x32768x16xf32, #tpu.memory_space<hbm>> -> memref<1x64x16xf32, #tpu.memory_space<hbm>>
        %dma_start3A_42 = tpu.memref_squeeze %dma_start3A_41 : memref<1x64x16xf32, #tpu.memory_space<hbm>> -> memref<64x16xf32, #tpu.memory_space<hbm>>
        %dma_start3A_43 = arith.constant 0 : i32
        %dma_start3A_44 = tpu.memref_slice %arg4[%run_scoped3A_14, %add3A_11, %dma_start3A_43] : memref<3x32768x16xf32, #tpu.memory_space<hbm>> -> memref<1x64x16xf32, #tpu.memory_space<hbm>>
        %dma_start3A_45 = tpu.memref_squeeze %dma_start3A_44 : memref<1x64x16xf32, #tpu.memory_space<hbm>> -> memref<64x16xf32, #tpu.memory_space<hbm>>
        tpu.enqueue_dma source(%dma_start3A_45 : memref<64x16xf32, #tpu.memory_space<hbm>>) target(%arg12 : memref<64x16xf32, #tpu.memory_space<vmem>>) target_semaphore(%run_scoped3A_39 : memref<!tpu.dma_semaphore, #tpu.memory_space<semaphore_mem>>)
        %dma_wait3A_46 = arith.constant 0 : i32
        %dma_wait3A_47 = tpu.memref_slice %arg4[%run_scoped3A_14, %add3A_11, %dma_wait3A_46] : memref<3x32768x16xf32, #tpu.memory_space<hbm>> -> memref<1x64x16xf32, #tpu.memory_space<hbm>>
        %dma_wait3A_48 = tpu.memref_squeeze %dma_wait3A_47 : memref<1x64x16xf32, #tpu.memory_space<hbm>> -> memref<64x16xf32, #tpu.memory_space<hbm>>
        %dma_wait3A_49 = arith.constant 0 : i32
        %dma_wait3A_50 = tpu.memref_slice %arg4[%run_scoped3A_14, %add3A_11, %dma_wait3A_49] : memref<3x32768x16xf32, #tpu.memory_space<hbm>> -> memref<1x64x16xf32, #tpu.memory_space<hbm>>
        %dma_wait3A_51 = tpu.memref_squeeze %dma_wait3A_50 : memref<1x64x16xf32, #tpu.memory_space<hbm>> -> memref<64x16xf32, #tpu.memory_space<hbm>>
        tpu.wait_dma2 semaphore(%run_scoped3A_39 : memref<!tpu.dma_semaphore, #tpu.memory_space<semaphore_mem>>) src(%dma_wait3A_51 : memref<64x16xf32, #tpu.memory_space<hbm>>) dst(%arg12 : memref<64x16xf32, #tpu.memory_space<vmem>>)
        tpu.yield
      }) : () -> ()
      %run_scoped3A_15 = arith.constant 1 : i32
      "tpu.region"() ({
        %run_scoped3A_39 = tpu.sem_alloc : memref<!tpu.dma_semaphore, #tpu.memory_space<semaphore_mem>>
        %dma_start3A_40 = arith.constant 0 : i32
        %dma_start3A_41 = tpu.memref_slice %arg4[%run_scoped3A_15, %add3A_11, %dma_start3A_40] : memref<3x32768x16xf32, #tpu.memory_space<hbm>> -> memref<1x64x16xf32, #tpu.memory_space<hbm>>
        %dma_start3A_42 = tpu.memref_squeeze %dma_start3A_41 : memref<1x64x16xf32, #tpu.memory_space<hbm>> -> memref<64x16xf32, #tpu.memory_space<hbm>>
        %dma_start3A_43 = arith.constant 0 : i32
        %dma_start3A_44 = tpu.memref_slice %arg4[%run_scoped3A_15, %add3A_11, %dma_start3A_43] : memref<3x32768x16xf32, #tpu.memory_space<hbm>> -> memref<1x64x16xf32, #tpu.memory_space<hbm>>
        %dma_start3A_45 = tpu.memref_squeeze %dma_start3A_44 : memref<1x64x16xf32, #tpu.memory_space<hbm>> -> memref<64x16xf32, #tpu.memory_space<hbm>>
        tpu.enqueue_dma source(%dma_start3A_45 : memref<64x16xf32, #tpu.memory_space<hbm>>) target(%arg13 : memref<64x16xf32, #tpu.memory_space<vmem>>) target_semaphore(%run_scoped3A_39 : memref<!tpu.dma_semaphore, #tpu.memory_space<semaphore_mem>>)
        %dma_wait3A_46 = arith.constant 0 : i32
        %dma_wait3A_47 = tpu.memref_slice %arg4[%run_scoped3A_15, %add3A_11, %dma_wait3A_46] : memref<3x32768x16xf32, #tpu.memory_space<hbm>> -> memref<1x64x16xf32, #tpu.memory_space<hbm>>
        %dma_wait3A_48 = tpu.memref_squeeze %dma_wait3A_47 : memref<1x64x16xf32, #tpu.memory_space<hbm>> -> memref<64x16xf32, #tpu.memory_space<hbm>>
        %dma_wait3A_49 = arith.constant 0 : i32
        %dma_wait3A_50 = tpu.memref_slice %arg4[%run_scoped3A_15, %add3A_11, %dma_wait3A_49] : memref<3x32768x16xf32, #tpu.memory_space<hbm>> -> memref<1x64x16xf32, #tpu.memory_space<hbm>>
        %dma_wait3A_51 = tpu.memref_squeeze %dma_wait3A_50 : memref<1x64x16xf32, #tpu.memory_space<hbm>> -> memref<64x16xf32, #tpu.memory_space<hbm>>
        tpu.wait_dma2 semaphore(%run_scoped3A_39 : memref<!tpu.dma_semaphore, #tpu.memory_space<semaphore_mem>>) src(%dma_wait3A_51 : memref<64x16xf32, #tpu.memory_space<hbm>>) dst(%arg13 : memref<64x16xf32, #tpu.memory_space<vmem>>)
        tpu.yield
      }) : () -> ()
      %run_scoped3A_16 = arith.constant 2 : i32
      "tpu.region"() ({
        %run_scoped3A_39 = tpu.sem_alloc : memref<!tpu.dma_semaphore, #tpu.memory_space<semaphore_mem>>
        %dma_start3A_40 = arith.constant 0 : i32
        %dma_start3A_41 = tpu.memref_slice %arg4[%run_scoped3A_16, %add3A_11, %dma_start3A_40] : memref<3x32768x16xf32, #tpu.memory_space<hbm>> -> memref<1x64x16xf32, #tpu.memory_space<hbm>>
        %dma_start3A_42 = tpu.memref_squeeze %dma_start3A_41 : memref<1x64x16xf32, #tpu.memory_space<hbm>> -> memref<64x16xf32, #tpu.memory_space<hbm>>
        %dma_start3A_43 = arith.constant 0 : i32
        %dma_start3A_44 = tpu.memref_slice %arg4[%run_scoped3A_16, %add3A_11, %dma_start3A_43] : memref<3x32768x16xf32, #tpu.memory_space<hbm>> -> memref<1x64x16xf32, #tpu.memory_space<hbm>>
        %dma_start3A_45 = tpu.memref_squeeze %dma_start3A_44 : memref<1x64x16xf32, #tpu.memory_space<hbm>> -> memref<64x16xf32, #tpu.memory_space<hbm>>
        tpu.enqueue_dma source(%dma_start3A_45 : memref<64x16xf32, #tpu.memory_space<hbm>>) target(%arg14 : memref<64x16xf32, #tpu.memory_space<vmem>>) target_semaphore(%run_scoped3A_39 : memref<!tpu.dma_semaphore, #tpu.memory_space<semaphore_mem>>)
        %dma_wait3A_46 = arith.constant 0 : i32
        %dma_wait3A_47 = tpu.memref_slice %arg4[%run_scoped3A_16, %add3A_11, %dma_wait3A_46] : memref<3x32768x16xf32, #tpu.memory_space<hbm>> -> memref<1x64x16xf32, #tpu.memory_space<hbm>>
        %dma_wait3A_48 = tpu.memref_squeeze %dma_wait3A_47 : memref<1x64x16xf32, #tpu.memory_space<hbm>> -> memref<64x16xf32, #tpu.memory_space<hbm>>
        %dma_wait3A_49 = arith.constant 0 : i32
        %dma_wait3A_50 = tpu.memref_slice %arg4[%run_scoped3A_16, %add3A_11, %dma_wait3A_49] : memref<3x32768x16xf32, #tpu.memory_space<hbm>> -> memref<1x64x16xf32, #tpu.memory_space<hbm>>
        %dma_wait3A_51 = tpu.memref_squeeze %dma_wait3A_50 : memref<1x64x16xf32, #tpu.memory_space<hbm>> -> memref<64x16xf32, #tpu.memory_space<hbm>>
        tpu.wait_dma2 semaphore(%run_scoped3A_39 : memref<!tpu.dma_semaphore, #tpu.memory_space<semaphore_mem>>) src(%dma_wait3A_51 : memref<64x16xf32, #tpu.memory_space<hbm>>) dst(%arg14 : memref<64x16xf32, #tpu.memory_space<vmem>>)
        tpu.yield
      }) : () -> ()
      %dma_start3A = arith.constant 0 : i32
      %dma_start3A_17 = arith.constant 0 : i32
      %dma_start3A_18 = tpu.memref_slice %arg2[%dma_start3A, %dma_start3A_17] : memref<8192x256xf32, #tpu.memory_space<hbm>> -> memref<8192x256xf32, #tpu.memory_space<hbm>>
      tpu.enqueue_indirect_dma source(%dma_start3A_18 : memref<8192x256xf32, #tpu.memory_space<hbm>>) target(%arg9 : memref<64x256xf32, #tpu.memory_space<vmem>>) offsets(%arg6 : memref<64xi32, #tpu.memory_space<vmem>>) semaphore(%arg16 : memref<!tpu.dma_semaphore, #tpu.memory_space<semaphore_mem>>)
      %dma_start3A_19 = arith.constant 0 : i32
      %dma_start3A_20 = arith.constant 0 : i32
      %dma_start3A_21 = tpu.memref_slice %arg2[%dma_start3A_19, %dma_start3A_20] : memref<8192x256xf32, #tpu.memory_space<hbm>> -> memref<8192x256xf32, #tpu.memory_space<hbm>>
      tpu.enqueue_indirect_dma source(%dma_start3A_21 : memref<8192x256xf32, #tpu.memory_space<hbm>>) target(%arg10 : memref<64x256xf32, #tpu.memory_space<vmem>>) offsets(%arg7 : memref<64xi32, #tpu.memory_space<vmem>>) semaphore(%arg16 : memref<!tpu.dma_semaphore, #tpu.memory_space<semaphore_mem>>)
      %dma_start3A_22 = arith.constant 0 : i32
      %dma_start3A_23 = arith.constant 0 : i32
      %dma_start3A_24 = tpu.memref_slice %arg2[%dma_start3A_22, %dma_start3A_23] : memref<8192x256xf32, #tpu.memory_space<hbm>> -> memref<8192x256xf32, #tpu.memory_space<hbm>>
      tpu.enqueue_indirect_dma source(%dma_start3A_24 : memref<8192x256xf32, #tpu.memory_space<hbm>>) target(%arg11 : memref<64x256xf32, #tpu.memory_space<vmem>>) offsets(%arg8 : memref<64xi32, #tpu.memory_space<vmem>>) semaphore(%arg16 : memref<!tpu.dma_semaphore, #tpu.memory_space<semaphore_mem>>)
      %dma_wait3A = arith.constant 0 : i32
      %dma_wait3A_25 = arith.constant 0 : i32
      %dma_wait3A_26 = tpu.memref_slice %arg2[%dma_wait3A, %dma_wait3A_25] : memref<8192x256xf32, #tpu.memory_space<hbm>> -> memref<8192x256xf32, #tpu.memory_space<hbm>>
      tpu.wait_indirect_dma semaphore(%arg16 : memref<!tpu.dma_semaphore, #tpu.memory_space<semaphore_mem>>) src(%dma_wait3A_26 : memref<8192x256xf32, #tpu.memory_space<hbm>>) dst(%arg9 : memref<64x256xf32, #tpu.memory_space<vmem>>)
      %dma_wait3A_27 = arith.constant 0 : i32
      %dma_wait3A_28 = arith.constant 0 : i32
      %dma_wait3A_29 = tpu.memref_slice %arg2[%dma_wait3A_27, %dma_wait3A_28] : memref<8192x256xf32, #tpu.memory_space<hbm>> -> memref<8192x256xf32, #tpu.memory_space<hbm>>
      tpu.wait_indirect_dma semaphore(%arg16 : memref<!tpu.dma_semaphore, #tpu.memory_space<semaphore_mem>>) src(%dma_wait3A_29 : memref<8192x256xf32, #tpu.memory_space<hbm>>) dst(%arg10 : memref<64x256xf32, #tpu.memory_space<vmem>>)
      %dma_wait3A_30 = arith.constant 0 : i32
      %dma_wait3A_31 = arith.constant 0 : i32
      %dma_wait3A_32 = tpu.memref_slice %arg2[%dma_wait3A_30, %dma_wait3A_31] : memref<8192x256xf32, #tpu.memory_space<hbm>> -> memref<8192x256xf32, #tpu.memory_space<hbm>>
      tpu.wait_indirect_dma semaphore(%arg16 : memref<!tpu.dma_semaphore, #tpu.memory_space<semaphore_mem>>) src(%dma_wait3A_32 : memref<8192x256xf32, #tpu.memory_space<hbm>>) dst(%arg11 : memref<64x256xf32, #tpu.memory_space<vmem>>)
      %scan3A_33 = arith.constant 0 : i32
      %scan3A_34 = arith.constant 0 : i32
      %scan3A_35 = arith.constant 64 : i32
      %scan3A_36 = arith.addi %scan3A_34, %scan3A_35 : i32
      %scan3A_37 = arith.constant 1 : i32
      scf.for %scan3A_39 = %scan3A_34 to %scan3A_36 step %scan3A_37  : i32 {
        %get3A = arith.index_cast %scan3A_39 : i32 to index
        %get3A_40 = arith.constant 0 : index
        %get3A_41 = tpu.vector_load %arg12[%get3A, %get3A_40] {strides = array<i32>} : memref<64x16xf32, #tpu.memory_space<vmem>>, vector<1x16xf32>,
        %get3A_42 = vector.shape_cast %get3A_41 : vector<1x16xf32> to vector<16xf32>
        %get3A_43 = arith.index_cast %scan3A_39 : i32 to index
        %get3A_44 = arith.constant 0 : index
        %get3A_45 = tpu.vector_load %arg13[%get3A_43, %get3A_44] {strides = array<i32>} : memref<64x16xf32, #tpu.memory_space<vmem>>, vector<1x16xf32>,
        %get3A_46 = vector.shape_cast %get3A_45 : vector<1x16xf32> to vector<16xf32>
        %get3A_47 = arith.index_cast %scan3A_39 : i32 to index
        %get3A_48 = arith.constant 0 : index
        %get3A_49 = tpu.vector_load %arg14[%get3A_47, %get3A_48] {strides = array<i32>} : memref<64x16xf32, #tpu.memory_space<vmem>>, vector<1x16xf32>,
        %get3A_50 = vector.shape_cast %get3A_49 : vector<1x16xf32> to vector<16xf32>
        %get3A_51 = arith.index_cast %scan3A_39 : i32 to index
        %get3A_52 = arith.constant 0 : index
        %get3A_53 = tpu.vector_load %arg9[%get3A_51, %get3A_52] {strides = array<i32>} : memref<64x256xf32, #tpu.memory_space<vmem>>, vector<1x16xf32>,
        %get3A_54 = vector.shape_cast %get3A_53 : vector<1x16xf32> to vector<16xf32>
        %mul3A_55 = arith.mulf %get3A_54, %get3A_42 : vector<16xf32>
        %get3A_56 = arith.index_cast %scan3A_39 : i32 to index
        %get3A_57 = arith.constant 0 : index
        %get3A_58 = tpu.vector_load %arg10[%get3A_56, %get3A_57] {strides = array<i32>} : memref<64x256xf32, #tpu.memory_space<vmem>>, vector<1x16xf32>,
        %get3A_59 = vector.shape_cast %get3A_58 : vector<1x16xf32> to vector<16xf32>
        %mul3A_60 = arith.mulf %get3A_59, %get3A_46 : vector<16xf32>
        %add3A_61 = arith.addf %mul3A_55, %mul3A_60 : vector<16xf32>
        %get3A_62 = arith.index_cast %scan3A_39 : i32 to index
        %get3A_63 = arith.constant 0 : index
        %get3A_64 = tpu.vector_load %arg11[%get3A_62, %get3A_63] {strides = array<i32>} : memref<64x256xf32, #tpu.memory_space<vmem>>, vector<1x16xf32>,
        %get3A_65 = vector.shape_cast %get3A_64 : vector<1x16xf32> to vector<16xf32>
        %mul3A_66 = arith.mulf %get3A_65, %get3A_50 : vector<16xf32>
        %add3A_67 = arith.addf %add3A_61, %mul3A_66 : vector<16xf32>
        %swap3A = arith.index_cast %scan3A_39 : i32 to index
        %swap3A_68 = arith.constant 0 : index
        %swap3A_69 = tpu.vector_load %arg15[%swap3A, %swap3A_68] {strides = array<i32>} : memref<64x256xf32, #tpu.memory_space<vmem>>, vector<1x16xf32>,
        %swap3A_70 = vector.shape_cast %swap3A_69 : vector<1x16xf32> to vector<16xf32>
        %swap3A_71 = vector.shape_cast %add3A_67 : vector<16xf32> to vector<1x16xf32>
        tpu.vector_store %arg15[%swap3A, %swap3A_68], %swap3A_71 {strides = array<i32>} : memref<64x256xf32, #tpu.memory_space<vmem>>, vector<1x16xf32>,
        %get3A_72 = arith.index_cast %scan3A_39 : i32 to index
        %get3A_73 = arith.constant 16 : index
        %get3A_74 = tpu.vector_load %arg9[%get3A_72, %get3A_73] {strides = array<i32>} : memref<64x256xf32, #tpu.memory_space<vmem>>, vector<1x16xf32>,
        %get3A_75 = vector.shape_cast %get3A_74 : vector<1x16xf32> to vector<16xf32>
        %mul3A_76 = arith.mulf %get3A_75, %get3A_42 : vector<16xf32>
        %get3A_77 = arith.index_cast %scan3A_39 : i32 to index
        %get3A_78 = arith.constant 16 : index
        %get3A_79 = tpu.vector_load %arg10[%get3A_77, %get3A_78] {strides = array<i32>} : memref<64x256xf32, #tpu.memory_space<vmem>>, vector<1x16xf32>,
        %get3A_80 = vector.shape_cast %get3A_79 : vector<1x16xf32> to vector<16xf32>
        %mul3A_81 = arith.mulf %get3A_80, %get3A_46 : vector<16xf32>
        %add3A_82 = arith.addf %mul3A_76, %mul3A_81 : vector<16xf32>
        %get3A_83 = arith.index_cast %scan3A_39 : i32 to index
        %get3A_84 = arith.constant 16 : index
        %get3A_85 = tpu.vector_load %arg11[%get3A_83, %get3A_84] {strides = array<i32>} : memref<64x256xf32, #tpu.memory_space<vmem>>, vector<1x16xf32>,
        %get3A_86 = vector.shape_cast %get3A_85 : vector<1x16xf32> to vector<16xf32>
        %mul3A_87 = arith.mulf %get3A_86, %get3A_50 : vector<16xf32>
        %add3A_88 = arith.addf %add3A_82, %mul3A_87 : vector<16xf32>
        %swap3A_89 = arith.index_cast %scan3A_39 : i32 to index
        %swap3A_90 = arith.constant 16 : index
        %swap3A_91 = tpu.vector_load %arg15[%swap3A_89, %swap3A_90] {strides = array<i32>} : memref<64x256xf32, #tpu.memory_space<vmem>>, vector<1x16xf32>,
        %swap3A_92 = vector.shape_cast %swap3A_91 : vector<1x16xf32> to vector<16xf32>
        %swap3A_93 = vector.shape_cast %add3A_88 : vector<16xf32> to vector<1x16xf32>
        tpu.vector_store %arg15[%swap3A_89, %swap3A_90], %swap3A_93 {strides = array<i32>} : memref<64x256xf32, #tpu.memory_space<vmem>>, vector<1x16xf32>,
        %get3A_94 = arith.index_cast %scan3A_39 : i32 to index
        %get3A_95 = arith.constant 32 : index
        %get3A_96 = tpu.vector_load %arg9[%get3A_94, %get3A_95] {strides = array<i32>} : memref<64x256xf32, #tpu.memory_space<vmem>>, vector<1x16xf32>,
        %get3A_97 = vector.shape_cast %get3A_96 : vector<1x16xf32> to vector<16xf32>
        %mul3A_98 = arith.mulf %get3A_97, %get3A_42 : vector<16xf32>
        %get3A_99 = arith.index_cast %scan3A_39 : i32 to index
        %get3A_100 = arith.constant 32 : index
        %get3A_101 = tpu.vector_load %arg10[%get3A_99, %get3A_100] {strides = array<i32>} : memref<64x256xf32, #tpu.memory_space<vmem>>, vector<1x16xf32>,
        %get3A_102 = vector.shape_cast %get3A_101 : vector<1x16xf32> to vector<16xf32>
        %mul3A_103 = arith.mulf %get3A_102, %get3A_46 : vector<16xf32>
        %add3A_104 = arith.addf %mul3A_98, %mul3A_103 : vector<16xf32>
        %get3A_105 = arith.index_cast %scan3A_39 : i32 to index
        %get3A_106 = arith.constant 32 : index
        %get3A_107 = tpu.vector_load %arg11[%get3A_105, %get3A_106] {strides = array<i32>} : memref<64x256xf32, #tpu.memory_space<vmem>>, vector<1x16xf32>,
        %get3A_108 = vector.shape_cast %get3A_107 : vector<1x16xf32> to vector<16xf32>
        %mul3A_109 = arith.mulf %get3A_108, %get3A_50 : vector<16xf32>
        %add3A_110 = arith.addf %add3A_104, %mul3A_109 : vector<16xf32>
        %swap3A_111 = arith.index_cast %scan3A_39 : i32 to index
        %swap3A_112 = arith.constant 32 : index
        %swap3A_113 = tpu.vector_load %arg15[%swap3A_111, %swap3A_112] {strides = array<i32>} : memref<64x256xf32, #tpu.memory_space<vmem>>, vector<1x16xf32>,
        %swap3A_114 = vector.shape_cast %swap3A_113 : vector<1x16xf32> to vector<16xf32>
        %swap3A_115 = vector.shape_cast %add3A_110 : vector<16xf32> to vector<1x16xf32>
        tpu.vector_store %arg15[%swap3A_111, %swap3A_112], %swap3A_115 {strides = array<i32>} : memref<64x256xf32, #tpu.memory_space<vmem>>, vector<1x16xf32>,
        %get3A_116 = arith.index_cast %scan3A_39 : i32 to index
        %get3A_117 = arith.constant 48 : index
        %get3A_118 = tpu.vector_load %arg9[%get3A_116, %get3A_117] {strides = array<i32>} : memref<64x256xf32, #tpu.memory_space<vmem>>, vector<1x16xf32>,
        %get3A_119 = vector.shape_cast %get3A_118 : vector<1x16xf32> to vector<16xf32>
        %mul3A_120 = arith.mulf %get3A_119, %get3A_42 : vector<16xf32>
        %get3A_121 = arith.index_cast %scan3A_39 : i32 to index
        %get3A_122 = arith.constant 48 : index
        %get3A_123 = tpu.vector_load %arg10[%get3A_121, %get3A_122] {strides = array<i32>} : memref<64x256xf32, #tpu.memory_space<vmem>>, vector<1x16xf32>,
        %get3A_124 = vector.shape_cast %get3A_123 : vector<1x16xf32> to vector<16xf32>
        %mul3A_125 = arith.mulf %get3A_124, %get3A_46 : vector<16xf32>
        %add3A_126 = arith.addf %mul3A_120, %mul3A_125 : vector<16xf32>
        %get3A_127 = arith.index_cast %scan3A_39 : i32 to index
        %get3A_128 = arith.constant 48 : index
        %get3A_129 = tpu.vector_load %arg11[%get3A_127, %get3A_128] {strides = array<i32>} : memref<64x256xf32, #tpu.memory_space<vmem>>, vector<1x16xf32>,
        %get3A_130 = vector.shape_cast %get3A_129 : vector<1x16xf32> to vector<16xf32>
        %mul3A_131 = arith.mulf %get3A_130, %get3A_50 : vector<16xf32>
        %add3A_132 = arith.addf %add3A_126, %mul3A_131 : vector<16xf32>
        %swap3A_133 = arith.index_cast %scan3A_39 : i32 to index
        %swap3A_134 = arith.constant 48 : index
        %swap3A_135 = tpu.vector_load %arg15[%swap3A_133, %swap3A_134] {strides = array<i32>} : memref<64x256xf32, #tpu.memory_space<vmem>>, vector<1x16xf32>,
        %swap3A_136 = vector.shape_cast %swap3A_135 : vector<1x16xf32> to vector<16xf32>
        %swap3A_137 = vector.shape_cast %add3A_132 : vector<16xf32> to vector<1x16xf32>
        tpu.vector_store %arg15[%swap3A_133, %swap3A_134], %swap3A_137 {strides = array<i32>} : memref<64x256xf32, #tpu.memory_space<vmem>>, vector<1x16xf32>,
        %get3A_138 = arith.index_cast %scan3A_39 : i32 to index
        %get3A_139 = arith.constant 64 : index
        %get3A_140 = tpu.vector_load %arg9[%get3A_138, %get3A_139] {strides = array<i32>} : memref<64x256xf32, #tpu.memory_space<vmem>>, vector<1x16xf32>,
        %get3A_141 = vector.shape_cast %get3A_140 : vector<1x16xf32> to vector<16xf32>
        %mul3A_142 = arith.mulf %get3A_141, %get3A_42 : vector<16xf32>
        %get3A_143 = arith.index_cast %scan3A_39 : i32 to index
        %get3A_144 = arith.constant 64 : index
        %get3A_145 = tpu.vector_load %arg10[%get3A_143, %get3A_144] {strides = array<i32>} : memref<64x256xf32, #tpu.memory_space<vmem>>, vector<1x16xf32>,
        %get3A_146 = vector.shape_cast %get3A_145 : vector<1x16xf32> to vector<16xf32>
        %mul3A_147 = arith.mulf %get3A_146, %get3A_46 : vector<16xf32>
        %add3A_148 = arith.addf %mul3A_142, %mul3A_147 : vector<16xf32>
        %get3A_149 = arith.index_cast %scan3A_39 : i32 to index
        %get3A_150 = arith.constant 64 : index
        %get3A_151 = tpu.vector_load %arg11[%get3A_149, %get3A_150] {strides = array<i32>} : memref<64x256xf32, #tpu.memory_space<vmem>>, vector<1x16xf32>,
        %get3A_152 = vector.shape_cast %get3A_151 : vector<1x16xf32> to vector<16xf32>
        %mul3A_153 = arith.mulf %get3A_152, %get3A_50 : vector<16xf32>
        %add3A_154 = arith.addf %add3A_148, %mul3A_153 : vector<16xf32>
        %swap3A_155 = arith.index_cast %scan3A_39 : i32 to index
        %swap3A_156 = arith.constant 64 : index
        %swap3A_157 = tpu.vector_load %arg15[%swap3A_155, %swap3A_156] {strides = array<i32>} : memref<64x256xf32, #tpu.memory_space<vmem>>, vector<1x16xf32>,
        %swap3A_158 = vector.shape_cast %swap3A_157 : vector<1x16xf32> to vector<16xf32>
        %swap3A_159 = vector.shape_cast %add3A_154 : vector<16xf32> to vector<1x16xf32>
        tpu.vector_store %arg15[%swap3A_155, %swap3A_156], %swap3A_159 {strides = array<i32>} : memref<64x256xf32, #tpu.memory_space<vmem>>, vector<1x16xf32>,
        %get3A_160 = arith.index_cast %scan3A_39 : i32 to index
        %get3A_161 = arith.constant 80 : index
        %get3A_162 = tpu.vector_load %arg9[%get3A_160, %get3A_161] {strides = array<i32>} : memref<64x256xf32, #tpu.memory_space<vmem>>, vector<1x16xf32>,
        %get3A_163 = vector.shape_cast %get3A_162 : vector<1x16xf32> to vector<16xf32>
        %mul3A_164 = arith.mulf %get3A_163, %get3A_42 : vector<16xf32>
        %get3A_165 = arith.index_cast %scan3A_39 : i32 to index
        %get3A_166 = arith.constant 80 : index
        %get3A_167 = tpu.vector_load %arg10[%get3A_165, %get3A_166] {strides = array<i32>} : memref<64x256xf32, #tpu.memory_space<vmem>>, vector<1x16xf32>,
        %get3A_168 = vector.shape_cast %get3A_167 : vector<1x16xf32> to vector<16xf32>
        %mul3A_169 = arith.mulf %get3A_168, %get3A_46 : vector<16xf32>
        %add3A_170 = arith.addf %mul3A_164, %mul3A_169 : vector<16xf32>
        %get3A_171 = arith.index_cast %scan3A_39 : i32 to index
        %get3A_172 = arith.constant 80 : index
        %get3A_173 = tpu.vector_load %arg11[%get3A_171, %get3A_172] {strides = array<i32>} : memref<64x256xf32, #tpu.memory_space<vmem>>, vector<1x16xf32>,
        %get3A_174 = vector.shape_cast %get3A_173 : vector<1x16xf32> to vector<16xf32>
        %mul3A_175 = arith.mulf %get3A_174, %get3A_50 : vector<16xf32>
        %add3A_176 = arith.addf %add3A_170, %mul3A_175 : vector<16xf32>
        %swap3A_177 = arith.index_cast %scan3A_39 : i32 to index
        %swap3A_178 = arith.constant 80 : index
        %swap3A_179 = tpu.vector_load %arg15[%swap3A_177, %swap3A_178] {strides = array<i32>} : memref<64x256xf32, #tpu.memory_space<vmem>>, vector<1x16xf32>,
        %swap3A_180 = vector.shape_cast %swap3A_179 : vector<1x16xf32> to vector<16xf32>
        %swap3A_181 = vector.shape_cast %add3A_176 : vector<16xf32> to vector<1x16xf32>
        tpu.vector_store %arg15[%swap3A_177, %swap3A_178], %swap3A_181 {strides = array<i32>} : memref<64x256xf32, #tpu.memory_space<vmem>>, vector<1x16xf32>,
        %get3A_182 = arith.index_cast %scan3A_39 : i32 to index
        %get3A_183 = arith.constant 96 : index
        %get3A_184 = tpu.vector_load %arg9[%get3A_182, %get3A_183] {strides = array<i32>} : memref<64x256xf32, #tpu.memory_space<vmem>>, vector<1x16xf32>,
        %get3A_185 = vector.shape_cast %get3A_184 : vector<1x16xf32> to vector<16xf32>
        %mul3A_186 = arith.mulf %get3A_185, %get3A_42 : vector<16xf32>
        %get3A_187 = arith.index_cast %scan3A_39 : i32 to index
        %get3A_188 = arith.constant 96 : index
        %get3A_189 = tpu.vector_load %arg10[%get3A_187, %get3A_188] {strides = array<i32>} : memref<64x256xf32, #tpu.memory_space<vmem>>, vector<1x16xf32>,
        %get3A_190 = vector.shape_cast %get3A_189 : vector<1x16xf32> to vector<16xf32>
        %mul3A_191 = arith.mulf %get3A_190, %get3A_46 : vector<16xf32>
        %add3A_192 = arith.addf %mul3A_186, %mul3A_191 : vector<16xf32>
        %get3A_193 = arith.index_cast %scan3A_39 : i32 to index
        %get3A_194 = arith.constant 96 : index
        %get3A_195 = tpu.vector_load %arg11[%get3A_193, %get3A_194] {strides = array<i32>} : memref<64x256xf32, #tpu.memory_space<vmem>>, vector<1x16xf32>,
        %get3A_196 = vector.shape_cast %get3A_195 : vector<1x16xf32> to vector<16xf32>
        %mul3A_197 = arith.mulf %get3A_196, %get3A_50 : vector<16xf32>
        %add3A_198 = arith.addf %add3A_192, %mul3A_197 : vector<16xf32>
        %swap3A_199 = arith.index_cast %scan3A_39 : i32 to index
        %swap3A_200 = arith.constant 96 : index
        %swap3A_201 = tpu.vector_load %arg15[%swap3A_199, %swap3A_200] {strides = array<i32>} : memref<64x256xf32, #tpu.memory_space<vmem>>, vector<1x16xf32>,
        %swap3A_202 = vector.shape_cast %swap3A_201 : vector<1x16xf32> to vector<16xf32>
        %swap3A_203 = vector.shape_cast %add3A_198 : vector<16xf32> to vector<1x16xf32>
        tpu.vector_store %arg15[%swap3A_199, %swap3A_200], %swap3A_203 {strides = array<i32>} : memref<64x256xf32, #tpu.memory_space<vmem>>, vector<1x16xf32>,
        %get3A_204 = arith.index_cast %scan3A_39 : i32 to index
        %get3A_205 = arith.constant 112 : index
        %get3A_206 = tpu.vector_load %arg9[%get3A_204, %get3A_205] {strides = array<i32>} : memref<64x256xf32, #tpu.memory_space<vmem>>, vector<1x16xf32>,
        %get3A_207 = vector.shape_cast %get3A_206 : vector<1x16xf32> to vector<16xf32>
        %mul3A_208 = arith.mulf %get3A_207, %get3A_42 : vector<16xf32>
        %get3A_209 = arith.index_cast %scan3A_39 : i32 to index
        %get3A_210 = arith.constant 112 : index
        %get3A_211 = tpu.vector_load %arg10[%get3A_209, %get3A_210] {strides = array<i32>} : memref<64x256xf32, #tpu.memory_space<vmem>>, vector<1x16xf32>,
        %get3A_212 = vector.shape_cast %get3A_211 : vector<1x16xf32> to vector<16xf32>
        %mul3A_213 = arith.mulf %get3A_212, %get3A_46 : vector<16xf32>
        %add3A_214 = arith.addf %mul3A_208, %mul3A_213 : vector<16xf32>
        %get3A_215 = arith.index_cast %scan3A_39 : i32 to index
        %get3A_216 = arith.constant 112 : index
        %get3A_217 = tpu.vector_load %arg11[%get3A_215, %get3A_216] {strides = array<i32>} : memref<64x256xf32, #tpu.memory_space<vmem>>, vector<1x16xf32>,
        %get3A_218 = vector.shape_cast %get3A_217 : vector<1x16xf32> to vector<16xf32>
        %mul3A_219 = arith.mulf %get3A_218, %get3A_50 : vector<16xf32>
        %add3A_220 = arith.addf %add3A_214, %mul3A_219 : vector<16xf32>
        %swap3A_221 = arith.index_cast %scan3A_39 : i32 to index
        %swap3A_222 = arith.constant 112 : index
        %swap3A_223 = tpu.vector_load %arg15[%swap3A_221, %swap3A_222] {strides = array<i32>} : memref<64x256xf32, #tpu.memory_space<vmem>>, vector<1x16xf32>,
        %swap3A_224 = vector.shape_cast %swap3A_223 : vector<1x16xf32> to vector<16xf32>
        %swap3A_225 = vector.shape_cast %add3A_220 : vector<16xf32> to vector<1x16xf32>
        tpu.vector_store %arg15[%swap3A_221, %swap3A_222], %swap3A_225 {strides = array<i32>} : memref<64x256xf32, #tpu.memory_space<vmem>>, vector<1x16xf32>,
        %get3A_226 = arith.index_cast %scan3A_39 : i32 to index
        %get3A_227 = arith.constant 128 : index
        %get3A_228 = tpu.vector_load %arg9[%get3A_226, %get3A_227] {strides = array<i32>} : memref<64x256xf32, #tpu.memory_space<vmem>>, vector<1x16xf32>,
        %get3A_229 = vector.shape_cast %get3A_228 : vector<1x16xf32> to vector<16xf32>
        %mul3A_230 = arith.mulf %get3A_229, %get3A_42 : vector<16xf32>
        %get3A_231 = arith.index_cast %scan3A_39 : i32 to index
        %get3A_232 = arith.constant 128 : index
        %get3A_233 = tpu.vector_load %arg10[%get3A_231, %get3A_232] {strides = array<i32>} : memref<64x256xf32, #tpu.memory_space<vmem>>, vector<1x16xf32>,
        %get3A_234 = vector.shape_cast %get3A_233 : vector<1x16xf32> to vector<16xf32>
        %mul3A_235 = arith.mulf %get3A_234, %get3A_46 : vector<16xf32>
        %add3A_236 = arith.addf %mul3A_230, %mul3A_235 : vector<16xf32>
        %get3A_237 = arith.index_cast %scan3A_39 : i32 to index
        %get3A_238 = arith.constant 128 : index
        %get3A_239 = tpu.vector_load %arg11[%get3A_237, %get3A_238] {strides = array<i32>} : memref<64x256xf32, #tpu.memory_space<vmem>>, vector<1x16xf32>,
        %get3A_240 = vector.shape_cast %get3A_239 : vector<1x16xf32> to vector<16xf32>
        %mul3A_241 = arith.mulf %get3A_240, %get3A_50 : vector<16xf32>
        %add3A_242 = arith.addf %add3A_236, %mul3A_241 : vector<16xf32>
        %swap3A_243 = arith.index_cast %scan3A_39 : i32 to index
        %swap3A_244 = arith.constant 128 : index
        %swap3A_245 = tpu.vector_load %arg15[%swap3A_243, %swap3A_244] {strides = array<i32>} : memref<64x256xf32, #tpu.memory_space<vmem>>, vector<1x16xf32>,
        %swap3A_246 = vector.shape_cast %swap3A_245 : vector<1x16xf32> to vector<16xf32>
        %swap3A_247 = vector.shape_cast %add3A_242 : vector<16xf32> to vector<1x16xf32>
        tpu.vector_store %arg15[%swap3A_243, %swap3A_244], %swap3A_247 {strides = array<i32>} : memref<64x256xf32, #tpu.memory_space<vmem>>, vector<1x16xf32>,
        %get3A_248 = arith.index_cast %scan3A_39 : i32 to index
        %get3A_249 = arith.constant 144 : index
        %get3A_250 = tpu.vector_load %arg9[%get3A_248, %get3A_249] {strides = array<i32>} : memref<64x256xf32, #tpu.memory_space<vmem>>, vector<1x16xf32>,
        %get3A_251 = vector.shape_cast %get3A_250 : vector<1x16xf32> to vector<16xf32>
        %mul3A_252 = arith.mulf %get3A_251, %get3A_42 : vector<16xf32>
        %get3A_253 = arith.index_cast %scan3A_39 : i32 to index
        %get3A_254 = arith.constant 144 : index
        %get3A_255 = tpu.vector_load %arg10[%get3A_253, %get3A_254] {strides = array<i32>} : memref<64x256xf32, #tpu.memory_space<vmem>>, vector<1x16xf32>,
        %get3A_256 = vector.shape_cast %get3A_255 : vector<1x16xf32> to vector<16xf32>
        %mul3A_257 = arith.mulf %get3A_256, %get3A_46 : vector<16xf32>
        %add3A_258 = arith.addf %mul3A_252, %mul3A_257 : vector<16xf32>
        %get3A_259 = arith.index_cast %scan3A_39 : i32 to index
        %get3A_260 = arith.constant 144 : index
        %get3A_261 = tpu.vector_load %arg11[%get3A_259, %get3A_260] {strides = array<i32>} : memref<64x256xf32, #tpu.memory_space<vmem>>, vector<1x16xf32>,
        %get3A_262 = vector.shape_cast %get3A_261 : vector<1x16xf32> to vector<16xf32>
        %mul3A_263 = arith.mulf %get3A_262, %get3A_50 : vector<16xf32>
        %add3A_264 = arith.addf %add3A_258, %mul3A_263 : vector<16xf32>
        %swap3A_265 = arith.index_cast %scan3A_39 : i32 to index
        %swap3A_266 = arith.constant 144 : index
        %swap3A_267 = tpu.vector_load %arg15[%swap3A_265, %swap3A_266] {strides = array<i32>} : memref<64x256xf32, #tpu.memory_space<vmem>>, vector<1x16xf32>,
        %swap3A_268 = vector.shape_cast %swap3A_267 : vector<1x16xf32> to vector<16xf32>
        %swap3A_269 = vector.shape_cast %add3A_264 : vector<16xf32> to vector<1x16xf32>
        tpu.vector_store %arg15[%swap3A_265, %swap3A_266], %swap3A_269 {strides = array<i32>} : memref<64x256xf32, #tpu.memory_space<vmem>>, vector<1x16xf32>,
        %get3A_270 = arith.index_cast %scan3A_39 : i32 to index
        %get3A_271 = arith.constant 160 : index
        %get3A_272 = tpu.vector_load %arg9[%get3A_270, %get3A_271] {strides = array<i32>} : memref<64x256xf32, #tpu.memory_space<vmem>>, vector<1x16xf32>,
        %get3A_273 = vector.shape_cast %get3A_272 : vector<1x16xf32> to vector<16xf32>
        %mul3A_274 = arith.mulf %get3A_273, %get3A_42 : vector<16xf32>
        %get3A_275 = arith.index_cast %scan3A_39 : i32 to index
        %get3A_276 = arith.constant 160 : index
        %get3A_277 = tpu.vector_load %arg10[%get3A_275, %get3A_276] {strides = array<i32>} : memref<64x256xf32, #tpu.memory_space<vmem>>, vector<1x16xf32>,
        %get3A_278 = vector.shape_cast %get3A_277 : vector<1x16xf32> to vector<16xf32>
        %mul3A_279 = arith.mulf %get3A_278, %get3A_46 : vector<16xf32>
        %add3A_280 = arith.addf %mul3A_274, %mul3A_279 : vector<16xf32>
        %get3A_281 = arith.index_cast %scan3A_39 : i32 to index
        %get3A_282 = arith.constant 160 : index
        %get3A_283 = tpu.vector_load %arg11[%get3A_281, %get3A_282] {strides = array<i32>} : memref<64x256xf32, #tpu.memory_space<vmem>>, vector<1x16xf32>,
        %get3A_284 = vector.shape_cast %get3A_283 : vector<1x16xf32> to vector<16xf32>
        %mul3A_285 = arith.mulf %get3A_284, %get3A_50 : vector<16xf32>
        %add3A_286 = arith.addf %add3A_280, %mul3A_285 : vector<16xf32>
        %swap3A_287 = arith.index_cast %scan3A_39 : i32 to index
        %swap3A_288 = arith.constant 160 : index
        %swap3A_289 = tpu.vector_load %arg15[%swap3A_287, %swap3A_288] {strides = array<i32>} : memref<64x256xf32, #tpu.memory_space<vmem>>, vector<1x16xf32>,
        %swap3A_290 = vector.shape_cast %swap3A_289 : vector<1x16xf32> to vector<16xf32>
        %swap3A_291 = vector.shape_cast %add3A_286 : vector<16xf32> to vector<1x16xf32>
        tpu.vector_store %arg15[%swap3A_287, %swap3A_288], %swap3A_291 {strides = array<i32>} : memref<64x256xf32, #tpu.memory_space<vmem>>, vector<1x16xf32>,
        %get3A_292 = arith.index_cast %scan3A_39 : i32 to index
        %get3A_293 = arith.constant 176 : index
        %get3A_294 = tpu.vector_load %arg9[%get3A_292, %get3A_293] {strides = array<i32>} : memref<64x256xf32, #tpu.memory_space<vmem>>, vector<1x16xf32>,
        %get3A_295 = vector.shape_cast %get3A_294 : vector<1x16xf32> to vector<16xf32>
        %mul3A_296 = arith.mulf %get3A_295, %get3A_42 : vector<16xf32>
        %get3A_297 = arith.index_cast %scan3A_39 : i32 to index
        %get3A_298 = arith.constant 176 : index
        %get3A_299 = tpu.vector_load %arg10[%get3A_297, %get3A_298] {strides = array<i32>} : memref<64x256xf32, #tpu.memory_space<vmem>>, vector<1x16xf32>,
        %get3A_300 = vector.shape_cast %get3A_299 : vector<1x16xf32> to vector<16xf32>
        %mul3A_301 = arith.mulf %get3A_300, %get3A_46 : vector<16xf32>
        %add3A_302 = arith.addf %mul3A_296, %mul3A_301 : vector<16xf32>
        %get3A_303 = arith.index_cast %scan3A_39 : i32 to index
        %get3A_304 = arith.constant 176 : index
        %get3A_305 = tpu.vector_load %arg11[%get3A_303, %get3A_304] {strides = array<i32>} : memref<64x256xf32, #tpu.memory_space<vmem>>, vector<1x16xf32>,
        %get3A_306 = vector.shape_cast %get3A_305 : vector<1x16xf32> to vector<16xf32>
        %mul3A_307 = arith.mulf %get3A_306, %get3A_50 : vector<16xf32>
        %add3A_308 = arith.addf %add3A_302, %mul3A_307 : vector<16xf32>
        %swap3A_309 = arith.index_cast %scan3A_39 : i32 to index
        %swap3A_310 = arith.constant 176 : index
        %swap3A_311 = tpu.vector_load %arg15[%swap3A_309, %swap3A_310] {strides = array<i32>} : memref<64x256xf32, #tpu.memory_space<vmem>>, vector<1x16xf32>,
        %swap3A_312 = vector.shape_cast %swap3A_311 : vector<1x16xf32> to vector<16xf32>
        %swap3A_313 = vector.shape_cast %add3A_308 : vector<16xf32> to vector<1x16xf32>
        tpu.vector_store %arg15[%swap3A_309, %swap3A_310], %swap3A_313 {strides = array<i32>} : memref<64x256xf32, #tpu.memory_space<vmem>>, vector<1x16xf32>,
        %get3A_314 = arith.index_cast %scan3A_39 : i32 to index
        %get3A_315 = arith.constant 192 : index
        %get3A_316 = tpu.vector_load %arg9[%get3A_314, %get3A_315] {strides = array<i32>} : memref<64x256xf32, #tpu.memory_space<vmem>>, vector<1x16xf32>,
        %get3A_317 = vector.shape_cast %get3A_316 : vector<1x16xf32> to vector<16xf32>
        %mul3A_318 = arith.mulf %get3A_317, %get3A_42 : vector<16xf32>
        %get3A_319 = arith.index_cast %scan3A_39 : i32 to index
        %get3A_320 = arith.constant 192 : index
        %get3A_321 = tpu.vector_load %arg10[%get3A_319, %get3A_320] {strides = array<i32>} : memref<64x256xf32, #tpu.memory_space<vmem>>, vector<1x16xf32>,
        %get3A_322 = vector.shape_cast %get3A_321 : vector<1x16xf32> to vector<16xf32>
        %mul3A_323 = arith.mulf %get3A_322, %get3A_46 : vector<16xf32>
        %add3A_324 = arith.addf %mul3A_318, %mul3A_323 : vector<16xf32>
        %get3A_325 = arith.index_cast %scan3A_39 : i32 to index
        %get3A_326 = arith.constant 192 : index
        %get3A_327 = tpu.vector_load %arg11[%get3A_325, %get3A_326] {strides = array<i32>} : memref<64x256xf32, #tpu.memory_space<vmem>>, vector<1x16xf32>,
        %get3A_328 = vector.shape_cast %get3A_327 : vector<1x16xf32> to vector<16xf32>
        %mul3A_329 = arith.mulf %get3A_328, %get3A_50 : vector<16xf32>
        %add3A_330 = arith.addf %add3A_324, %mul3A_329 : vector<16xf32>
        %swap3A_331 = arith.index_cast %scan3A_39 : i32 to index
        %swap3A_332 = arith.constant 192 : index
        %swap3A_333 = tpu.vector_load %arg15[%swap3A_331, %swap3A_332] {strides = array<i32>} : memref<64x256xf32, #tpu.memory_space<vmem>>, vector<1x16xf32>,
        %swap3A_334 = vector.shape_cast %swap3A_333 : vector<1x16xf32> to vector<16xf32>
        %swap3A_335 = vector.shape_cast %add3A_330 : vector<16xf32> to vector<1x16xf32>
        tpu.vector_store %arg15[%swap3A_331, %swap3A_332], %swap3A_335 {strides = array<i32>} : memref<64x256xf32, #tpu.memory_space<vmem>>, vector<1x16xf32>,
        %get3A_336 = arith.index_cast %scan3A_39 : i32 to index
        %get3A_337 = arith.constant 208 : index
        %get3A_338 = tpu.vector_load %arg9[%get3A_336, %get3A_337] {strides = array<i32>} : memref<64x256xf32, #tpu.memory_space<vmem>>, vector<1x16xf32>,
        %get3A_339 = vector.shape_cast %get3A_338 : vector<1x16xf32> to vector<16xf32>
        %mul3A_340 = arith.mulf %get3A_339, %get3A_42 : vector<16xf32>
        %get3A_341 = arith.index_cast %scan3A_39 : i32 to index
        %get3A_342 = arith.constant 208 : index
        %get3A_343 = tpu.vector_load %arg10[%get3A_341, %get3A_342] {strides = array<i32>} : memref<64x256xf32, #tpu.memory_space<vmem>>, vector<1x16xf32>,
        %get3A_344 = vector.shape_cast %get3A_343 : vector<1x16xf32> to vector<16xf32>
        %mul3A_345 = arith.mulf %get3A_344, %get3A_46 : vector<16xf32>
        %add3A_346 = arith.addf %mul3A_340, %mul3A_345 : vector<16xf32>
        %get3A_347 = arith.index_cast %scan3A_39 : i32 to index
        %get3A_348 = arith.constant 208 : index
        %get3A_349 = tpu.vector_load %arg11[%get3A_347, %get3A_348] {strides = array<i32>} : memref<64x256xf32, #tpu.memory_space<vmem>>, vector<1x16xf32>,
        %get3A_350 = vector.shape_cast %get3A_349 : vector<1x16xf32> to vector<16xf32>
        %mul3A_351 = arith.mulf %get3A_350, %get3A_50 : vector<16xf32>
        %add3A_352 = arith.addf %add3A_346, %mul3A_351 : vector<16xf32>
        %swap3A_353 = arith.index_cast %scan3A_39 : i32 to index
        %swap3A_354 = arith.constant 208 : index
        %swap3A_355 = tpu.vector_load %arg15[%swap3A_353, %swap3A_354] {strides = array<i32>} : memref<64x256xf32, #tpu.memory_space<vmem>>, vector<1x16xf32>,
        %swap3A_356 = vector.shape_cast %swap3A_355 : vector<1x16xf32> to vector<16xf32>
        %swap3A_357 = vector.shape_cast %add3A_352 : vector<16xf32> to vector<1x16xf32>
        tpu.vector_store %arg15[%swap3A_353, %swap3A_354], %swap3A_357 {strides = array<i32>} : memref<64x256xf32, #tpu.memory_space<vmem>>, vector<1x16xf32>,
        %get3A_358 = arith.index_cast %scan3A_39 : i32 to index
        %get3A_359 = arith.constant 224 : index
        %get3A_360 = tpu.vector_load %arg9[%get3A_358, %get3A_359] {strides = array<i32>} : memref<64x256xf32, #tpu.memory_space<vmem>>, vector<1x16xf32>,
        %get3A_361 = vector.shape_cast %get3A_360 : vector<1x16xf32> to vector<16xf32>
        %mul3A_362 = arith.mulf %get3A_361, %get3A_42 : vector<16xf32>
        %get3A_363 = arith.index_cast %scan3A_39 : i32 to index
        %get3A_364 = arith.constant 224 : index
        %get3A_365 = tpu.vector_load %arg10[%get3A_363, %get3A_364] {strides = array<i32>} : memref<64x256xf32, #tpu.memory_space<vmem>>, vector<1x16xf32>,
        %get3A_366 = vector.shape_cast %get3A_365 : vector<1x16xf32> to vector<16xf32>
        %mul3A_367 = arith.mulf %get3A_366, %get3A_46 : vector<16xf32>
        %add3A_368 = arith.addf %mul3A_362, %mul3A_367 : vector<16xf32>
        %get3A_369 = arith.index_cast %scan3A_39 : i32 to index
        %get3A_370 = arith.constant 224 : index
        %get3A_371 = tpu.vector_load %arg11[%get3A_369, %get3A_370] {strides = array<i32>} : memref<64x256xf32, #tpu.memory_space<vmem>>, vector<1x16xf32>,
        %get3A_372 = vector.shape_cast %get3A_371 : vector<1x16xf32> to vector<16xf32>
        %mul3A_373 = arith.mulf %get3A_372, %get3A_50 : vector<16xf32>
        %add3A_374 = arith.addf %add3A_368, %mul3A_373 : vector<16xf32>
        %swap3A_375 = arith.index_cast %scan3A_39 : i32 to index
        %swap3A_376 = arith.constant 224 : index
        %swap3A_377 = tpu.vector_load %arg15[%swap3A_375, %swap3A_376] {strides = array<i32>} : memref<64x256xf32, #tpu.memory_space<vmem>>, vector<1x16xf32>,
        %swap3A_378 = vector.shape_cast %swap3A_377 : vector<1x16xf32> to vector<16xf32>
        %swap3A_379 = vector.shape_cast %add3A_374 : vector<16xf32> to vector<1x16xf32>
        tpu.vector_store %arg15[%swap3A_375, %swap3A_376], %swap3A_379 {strides = array<i32>} : memref<64x256xf32, #tpu.memory_space<vmem>>, vector<1x16xf32>,
        %get3A_380 = arith.index_cast %scan3A_39 : i32 to index
        %get3A_381 = arith.constant 240 : index
        %get3A_382 = tpu.vector_load %arg9[%get3A_380, %get3A_381] {strides = array<i32>} : memref<64x256xf32, #tpu.memory_space<vmem>>, vector<1x16xf32>,
        %get3A_383 = vector.shape_cast %get3A_382 : vector<1x16xf32> to vector<16xf32>
        %mul3A_384 = arith.mulf %get3A_383, %get3A_42 : vector<16xf32>
        %get3A_385 = arith.index_cast %scan3A_39 : i32 to index
        %get3A_386 = arith.constant 240 : index
        %get3A_387 = tpu.vector_load %arg10[%get3A_385, %get3A_386] {strides = array<i32>} : memref<64x256xf32, #tpu.memory_space<vmem>>, vector<1x16xf32>,
        %get3A_388 = vector.shape_cast %get3A_387 : vector<1x16xf32> to vector<16xf32>
        %mul3A_389 = arith.mulf %get3A_388, %get3A_46 : vector<16xf32>
        %add3A_390 = arith.addf %mul3A_384, %mul3A_389 : vector<16xf32>
        %get3A_391 = arith.index_cast %scan3A_39 : i32 to index
        %get3A_392 = arith.constant 240 : index
        %get3A_393 = tpu.vector_load %arg11[%get3A_391, %get3A_392] {strides = array<i32>} : memref<64x256xf32, #tpu.memory_space<vmem>>, vector<1x16xf32>,
        %get3A_394 = vector.shape_cast %get3A_393 : vector<1x16xf32> to vector<16xf32>
        %mul3A_395 = arith.mulf %get3A_394, %get3A_50 : vector<16xf32>
        %add3A_396 = arith.addf %add3A_390, %mul3A_395 : vector<16xf32>
        %swap3A_397 = arith.index_cast %scan3A_39 : i32 to index
        %swap3A_398 = arith.constant 240 : index
        %swap3A_399 = tpu.vector_load %arg15[%swap3A_397, %swap3A_398] {strides = array<i32>} : memref<64x256xf32, #tpu.memory_space<vmem>>, vector<1x16xf32>,
        %swap3A_400 = vector.shape_cast %swap3A_399 : vector<1x16xf32> to vector<16xf32>
        %swap3A_401 = vector.shape_cast %add3A_396 : vector<16xf32> to vector<1x16xf32>
        tpu.vector_store %arg15[%swap3A_397, %swap3A_398], %swap3A_401 {strides = array<i32>} : memref<64x256xf32, #tpu.memory_space<vmem>>, vector<1x16xf32>,
      }
      %scan3A_38 = arith.constant 64 : i32
      "tpu.region"() ({
        %run_scoped3A_39 = tpu.sem_alloc : memref<!tpu.dma_semaphore, #tpu.memory_space<semaphore_mem>>
        %dma_start3A_40 = arith.constant 0 : i32
        %dma_start3A_41 = tpu.memref_slice %arg5[%add3A_11, %dma_start3A_40] : memref<32768x256xf32, #tpu.memory_space<hbm>> -> memref<64x256xf32, #tpu.memory_space<hbm>>
        %dma_start3A_42 = arith.constant 0 : i32
        %dma_start3A_43 = tpu.memref_slice %arg5[%add3A_11, %dma_start3A_42] : memref<32768x256xf32, #tpu.memory_space<hbm>> -> memref<64x256xf32, #tpu.memory_space<hbm>>
        tpu.enqueue_dma source(%arg15 : memref<64x256xf32, #tpu.memory_space<vmem>>) target(%dma_start3A_43 : memref<64x256xf32, #tpu.memory_space<hbm>>) target_semaphore(%run_scoped3A_39 : memref<!tpu.dma_semaphore, #tpu.memory_space<semaphore_mem>>)
        %dma_wait3A_44 = arith.constant 0 : i32
        %dma_wait3A_45 = tpu.memref_slice %arg5[%add3A_11, %dma_wait3A_44] : memref<32768x256xf32, #tpu.memory_space<hbm>> -> memref<64x256xf32, #tpu.memory_space<hbm>>
        %dma_wait3A_46 = arith.constant 0 : i32
        %dma_wait3A_47 = tpu.memref_slice %arg5[%add3A_11, %dma_wait3A_46] : memref<32768x256xf32, #tpu.memory_space<hbm>> -> memref<64x256xf32, #tpu.memory_space<hbm>>
        tpu.wait_dma2 semaphore(%run_scoped3A_39 : memref<!tpu.dma_semaphore, #tpu.memory_space<semaphore_mem>>) src(%arg15 : memref<64x256xf32, #tpu.memory_space<vmem>>) dst(%dma_wait3A_47 : memref<64x256xf32, #tpu.memory_space<hbm>>)
        tpu.yield
      }) : () -> ()
    }
    %scan3A_7 = arith.constant 16 : i32
    return
  }
}

module attributes {stable_mosaic.version = 14 : i64} {
  func.func @_pass_gt(%arg0: i32, %arg1: memref<1x1024x256xf32, #tpu.memory_space<vmem>>, %arg2: memref<256x256xf32, #tpu.memory_space<vmem>>, %arg3: memref<1024x256xf32, #tpu.memory_space<vmem>>) attributes {dimension_semantics = [#tpu.dimension_semantics<arbitrary>], iteration_bounds = array<i64: 8>, scalar_prefetch = 0 : i64, scratch_operands = 0 : i64, tpu.core_type = #tpu.core_type<tc>, window_params = [{transform_indices = @transform_0, window_bounds = array<i64: 1, 1024, 256>}, {pipeline_mode = #tpu.pipeline_mode<synchronous>, transform_indices = @transform_1, window_bounds = array<i64: 256, 256>}, {transform_indices = @transform_2, window_bounds = array<i64: 1024, 256>}]} {
    %get3A = arith.constant 0 : index
    %get3A_0 = arith.constant 0 : index
    %get3A_1 = arith.constant 0 : index
    %get3A_2 = vector.load %arg1[%get3A, %get3A_0, %get3A_1] : memref<1x1024x256xf32, #tpu.memory_space<vmem>>, vector<1x1024x256xf32>
    %get3A_3 = vector.shape_cast %get3A_2 : vector<1x1024x256xf32> to vector<1024x256xf32>
    %get3A_4 = arith.constant 0 : index
    %get3A_5 = arith.constant 0 : index
    %get3A_6 = vector.load %arg2[%get3A_4, %get3A_5] : memref<256x256xf32, #tpu.memory_space<vmem>>, vector<256x256xf32>
    %dot_general3A = arith.constant dense<0.000000e+00> : vector<1024x256xf32>
    %dot_general3A_7 = tpu.matmul %get3A_3, %get3A_6, %dot_general3A {dimension_numbers = #tpu.dot_dimension_numbers<[1], [0], [0], [1], [0, 0, 1, 1], [], []>, transpose_lhs_hint = false} : vector<1024x256xf32>, vector<256x256xf32>, vector<1024x256xf32> -> vector<1024x256xf32>
    %swap3A = arith.constant 0 : index
    %swap3A_8 = arith.constant 0 : index
    %swap3A_9 = vector.load %arg3[%swap3A, %swap3A_8] : memref<1024x256xf32, #tpu.memory_space<vmem>>, vector<1024x256xf32>
    tpu.vector_store %arg3[%swap3A, %swap3A_8], %dot_general3A_7 {strides = array<i32>} : memref<1024x256xf32, #tpu.memory_space<vmem>>, vector<1024x256xf32>,
    return
  }
  func.func @transform_0(%arg0: i32) -> (i32, i32, i32) {
    %c0_i32 = arith.constant 0 : i32
    %c0_i32_0 = arith.constant 0 : i32
    %c0_i32_1 = arith.constant 0 : i32
    return %arg0, %c0_i32, %c0_i32_0 : i32, i32, i32
  }
  func.func @transform_1(%arg0: i32) -> (i32, i32) {
    %c0_i32 = arith.constant 0 : i32
    %c0_i32_0 = arith.constant 0 : i32
    %c0_i32_1 = arith.constant 0 : i32
    return %c0_i32, %c0_i32_0 : i32, i32
  }
  func.func @transform_2(%arg0: i32) -> (i32, i32) {
    %c0_i32 = arith.constant 0 : i32
    %c0_i32_0 = arith.constant 0 : i32
    return %arg0, %c0_i32 : i32, i32
  }
}

module attributes {stable_mosaic.version = 14 : i64} {
  func.func @_pass_sel(%arg0: i32, %arg1: i32, %arg2: memref<1x2048x3xf32, #tpu.memory_space<vmem>>, %arg3: memref<1x3x1024xf32, #tpu.memory_space<vmem>>, %arg4: memref<3x2048xi32, #tpu.memory_space<vmem>>, %arg5: memref<3x2048x16xf32, #tpu.memory_space<vmem>>) attributes {dimension_semantics = [#tpu.dimension_semantics<arbitrary>, #tpu.dimension_semantics<arbitrary>], iteration_bounds = array<i64: 8, 2>, scalar_prefetch = 0 : i64, scratch_operands = 0 : i64, tpu.core_type = #tpu.core_type<tc>, window_params = [{transform_indices = @transform_0, window_bounds = array<i64: 1, 2048, 3>}, {transform_indices = @transform_1, window_bounds = array<i64: 1, 3, 1024>}, {transform_indices = @transform_2, window_bounds = array<i64: 3, 2048>}, {transform_indices = @transform_3, window_bounds = array<i64: 3, 2048, 16>}]} {
    %get3A = arith.constant 0 : index
    %get3A_0 = arith.constant 0 : index
    %get3A_1 = arith.constant 0 : index
    %get3A_2 = vector.load %arg2[%get3A, %get3A_0, %get3A_1] : memref<1x2048x3xf32, #tpu.memory_space<vmem>>, vector<1x2048x3xf32>
    %get3A_3 = vector.shape_cast %get3A_2 : vector<1x2048x3xf32> to vector<2048x3xf32>
    %get3A_4 = arith.constant 0 : index
    %get3A_5 = arith.constant 0 : index
    %get3A_6 = arith.constant 0 : index
    %get3A_7 = vector.load %arg3[%get3A_4, %get3A_5, %get3A_6] : memref<1x3x1024xf32, #tpu.memory_space<vmem>>, vector<1x3x1024xf32>
    %get3A_8 = vector.shape_cast %get3A_7 : vector<1x3x1024xf32> to vector<3x1024xf32>
    %mul3A = arith.mulf %get3A_3, %get3A_3 : vector<2048x3xf32>
    %reduce_sum3A = arith.constant dense<0.000000e+00> : vector<2048xf32>
    %reduce_sum3A_9 = vector.multi_reduction <add>, %mul3A, %reduce_sum3A [1] : vector<2048x3xf32> to vector<2048xf32>
    %mul3A_10 = arith.mulf %get3A_8, %get3A_8 : vector<3x1024xf32>
    %reduce_sum3A_11 = arith.constant dense<0.000000e+00> : vector<1024xf32>
    %reduce_sum3A_12 = vector.multi_reduction <add>, %mul3A_10, %reduce_sum3A_11 [0] : vector<3x1024xf32> to vector<1024xf32>
    %convert_element_type3A = arith.truncf %get3A_3 : vector<2048x3xf32> to vector<2048x3xbf16>
    %mul3A_13 = arith.constant -2.000000e+00 : f32
    %mul3A_14 = vector.broadcast %mul3A_13 : f32 to vector<3x1024xf32>
    %mul3A_15 = arith.mulf %mul3A_14, %get3A_8 : vector<3x1024xf32>
    %convert_element_type3A_16 = arith.truncf %mul3A_15 : vector<3x1024xf32> to vector<3x1024xbf16>
    %dot_general3A = arith.constant dense<0.000000e+00> : vector<2048x1024xf32>
    %dot_general3A_17 = tpu.matmul %convert_element_type3A, %convert_element_type3A_16, %dot_general3A {dimension_numbers = #tpu.dot_dimension_numbers<[1], [0], [0], [1], [0, 0, 1, 1], [], []>, transpose_lhs_hint = false} : vector<2048x3xbf16>, vector<3x1024xbf16>, vector<2048x1024xf32> -> vector<2048x1024xf32>
    %broadcast_in_dim3A = vector.shape_cast %reduce_sum3A_9 : vector<2048xf32> to vector<2048x1xf32>
    %broadcast_in_dim3A_18 = vector.shape_cast %reduce_sum3A_12 : vector<1024xf32> to vector<1x1024xf32>
    %add3A = vector.broadcast %broadcast_in_dim3A : vector<2048x1xf32> to vector<2048x1024xf32>
    %add3A_19 = vector.broadcast %broadcast_in_dim3A_18 : vector<1x1024xf32> to vector<2048x1024xf32>
    %add3A_20 = arith.addf %add3A, %add3A_19 : vector<2048x1024xf32>
    %add3A_21 = arith.addf %add3A_20, %dot_general3A_17 : vector<2048x1024xf32>
    %iota3A = tpu.iota {dimensions = array<i32: 1>} : vector<2048x1024xi32>
    %reduce_min3A = arith.constant dense<0x7F800000> : vector<2048xf32>
    %reduce_min3A_22 = vector.multi_reduction <minimumf>, %add3A_21, %reduce_min3A [1] : vector<2048x1024xf32> to vector<2048xf32>
    %broadcast_in_dim3A_23 = vector.shape_cast %reduce_min3A_22 : vector<2048xf32> to vector<2048x1xf32>
    %eq3A = vector.broadcast %broadcast_in_dim3A_23 : vector<2048x1xf32> to vector<2048x1024xf32>
    %eq3A_24 = arith.cmpf oeq, %add3A_21, %eq3A : vector<2048x1024xf32>
    %jit3A = arith.constant 1024 : i32
    %broadcast_in_dim3A_25 = vector.broadcast %jit3A : i32 to vector<2048x1024xi32>
    %select_n3A = arith.select %eq3A_24, %iota3A, %broadcast_in_dim3A_25 : vector<2048x1024xi1>, vector<2048x1024xi32>
    %reduce_min3A_26 = arith.constant dense<2147483647> : vector<2048xi32>
    %reduce_min3A_27 = vector.multi_reduction <minsi>, %select_n3A, %reduce_min3A_26 [1] : vector<2048x1024xi32> to vector<2048xi32>
    %max3A = arith.constant 0.000000e+00 : f32
    %max3A_28 = vector.broadcast %max3A : f32 to vector<2048xf32>
    %max3A_29 = arith.maximumf %reduce_min3A_22, %max3A_28 : vector<2048xf32>
    %rsqrt3A = math.rsqrt %max3A_29 : vector<2048xf32>
    %min3A = arith.constant 1.000000e+08 : f32
    %min3A_30 = vector.broadcast %min3A : f32 to vector<2048xf32>
    %min3A_31 = arith.minimumf %rsqrt3A, %min3A_30 : vector<2048xf32>
    %broadcast_in_dim3A_32 = vector.shape_cast %reduce_min3A_27 : vector<2048xi32> to vector<2048x1xi32>
    %eq3A_33 = vector.broadcast %broadcast_in_dim3A_32 : vector<2048x1xi32> to vector<2048x1024xi32>
    %eq3A_34 = arith.cmpi eq, %iota3A, %eq3A_33 : vector<2048x1024xi32>
    %jit3A_35 = arith.constant 0x7F800000 : f32
    %broadcast_in_dim3A_36 = vector.broadcast %jit3A_35 : f32 to vector<2048x1024xf32>
    %select_n3A_37 = arith.select %eq3A_34, %broadcast_in_dim3A_36, %add3A_21 : vector<2048x1024xi1>, vector<2048x1024xf32>
    %reduce_min3A_38 = arith.constant dense<0x7F800000> : vector<2048xf32>
    %reduce_min3A_39 = vector.multi_reduction <minimumf>, %select_n3A_37, %reduce_min3A_38 [1] : vector<2048x1024xf32> to vector<2048xf32>
    %broadcast_in_dim3A_40 = vector.shape_cast %reduce_min3A_39 : vector<2048xf32> to vector<2048x1xf32>
    %eq3A_41 = vector.broadcast %broadcast_in_dim3A_40 : vector<2048x1xf32> to vector<2048x1024xf32>
    %eq3A_42 = arith.cmpf oeq, %select_n3A_37, %eq3A_41 : vector<2048x1024xf32>
    %jit3A_43 = arith.constant 1024 : i32
    %broadcast_in_dim3A_44 = vector.broadcast %jit3A_43 : i32 to vector<2048x1024xi32>
    %select_n3A_45 = arith.select %eq3A_42, %iota3A, %broadcast_in_dim3A_44 : vector<2048x1024xi1>, vector<2048x1024xi32>
    %reduce_min3A_46 = arith.constant dense<2147483647> : vector<2048xi32>
    %reduce_min3A_47 = vector.multi_reduction <minsi>, %select_n3A_45, %reduce_min3A_46 [1] : vector<2048x1024xi32> to vector<2048xi32>
    %max3A_48 = arith.constant 0.000000e+00 : f32
    %max3A_49 = vector.broadcast %max3A_48 : f32 to vector<2048xf32>
    %max3A_50 = arith.maximumf %reduce_min3A_39, %max3A_49 : vector<2048xf32>
    %rsqrt3A_51 = math.rsqrt %max3A_50 : vector<2048xf32>
    %min3A_52 = arith.constant 1.000000e+08 : f32
    %min3A_53 = vector.broadcast %min3A_52 : f32 to vector<2048xf32>
    %min3A_54 = arith.minimumf %rsqrt3A_51, %min3A_53 : vector<2048xf32>
    %broadcast_in_dim3A_55 = vector.shape_cast %reduce_min3A_47 : vector<2048xi32> to vector<2048x1xi32>
    %eq3A_56 = vector.broadcast %broadcast_in_dim3A_55 : vector<2048x1xi32> to vector<2048x1024xi32>
    %eq3A_57 = arith.cmpi eq, %iota3A, %eq3A_56 : vector<2048x1024xi32>
    %jit3A_58 = arith.constant 0x7F800000 : f32
    %broadcast_in_dim3A_59 = vector.broadcast %jit3A_58 : f32 to vector<2048x1024xf32>
    %select_n3A_60 = arith.select %eq3A_57, %broadcast_in_dim3A_59, %select_n3A_37 : vector<2048x1024xi1>, vector<2048x1024xf32>
    %reduce_min3A_61 = arith.constant dense<0x7F800000> : vector<2048xf32>
    %reduce_min3A_62 = vector.multi_reduction <minimumf>, %select_n3A_60, %reduce_min3A_61 [1] : vector<2048x1024xf32> to vector<2048xf32>
    %broadcast_in_dim3A_63 = vector.shape_cast %reduce_min3A_62 : vector<2048xf32> to vector<2048x1xf32>
    %eq3A_64 = vector.broadcast %broadcast_in_dim3A_63 : vector<2048x1xf32> to vector<2048x1024xf32>
    %eq3A_65 = arith.cmpf oeq, %select_n3A_60, %eq3A_64 : vector<2048x1024xf32>
    %jit3A_66 = arith.constant 1024 : i32
    %broadcast_in_dim3A_67 = vector.broadcast %jit3A_66 : i32 to vector<2048x1024xi32>
    %select_n3A_68 = arith.select %eq3A_65, %iota3A, %broadcast_in_dim3A_67 : vector<2048x1024xi1>, vector<2048x1024xi32>
    %reduce_min3A_69 = arith.constant dense<2147483647> : vector<2048xi32>
    %reduce_min3A_70 = vector.multi_reduction <minsi>, %select_n3A_68, %reduce_min3A_69 [1] : vector<2048x1024xi32> to vector<2048xi32>
    %max3A_71 = arith.constant 0.000000e+00 : f32
    %max3A_72 = vector.broadcast %max3A_71 : f32 to vector<2048xf32>
    %max3A_73 = arith.maximumf %reduce_min3A_62, %max3A_72 : vector<2048xf32>
    %rsqrt3A_74 = math.rsqrt %max3A_73 : vector<2048xf32>
    %min3A_75 = arith.constant 1.000000e+08 : f32
    %min3A_76 = vector.broadcast %min3A_75 : f32 to vector<2048xf32>
    %min3A_77 = arith.minimumf %rsqrt3A_74, %min3A_76 : vector<2048xf32>
    %add3A_78 = arith.addf %min3A_31, %min3A_54 : vector<2048xf32>
    %add3A_79 = arith.addf %add3A_78, %min3A_77 : vector<2048xf32>
    %div3A = arith.constant 1.000000e+00 : f32
    %div3A_80 = vector.broadcast %div3A : f32 to vector<2048xf32>
    %div3A_81 = arith.divf %div3A_80, %add3A_79 : vector<2048xf32>
    %mul3A_82 = arith.constant 1024 : i32
    %mul3A_83 = arith.muli %arg0, %mul3A_82 : i32
    %add3A_84 = vector.broadcast %mul3A_83 : i32 to vector<2048xi32>
    %add3A_85 = arith.addi %reduce_min3A_27, %add3A_84 : vector<2048xi32>
    %swap3A = arith.constant 0 : index
    %swap3A_86 = arith.constant 0 : index
    %swap3A_87 = vector.load %arg4[%swap3A, %swap3A_86] : memref<3x2048xi32, #tpu.memory_space<vmem>>, vector<1x2048xi32>
    %swap3A_88 = vector.shape_cast %swap3A_87 : vector<1x2048xi32> to vector<2048xi32>
    %swap3A_89 = vector.shape_cast %add3A_85 : vector<2048xi32> to vector<1x2048xi32>
    tpu.vector_store %arg4[%swap3A, %swap3A_86], %swap3A_89 {strides = array<i32>} : memref<3x2048xi32, #tpu.memory_space<vmem>>, vector<1x2048xi32>,
    %mul3A_90 = arith.mulf %min3A_31, %div3A_81 : vector<2048xf32>
    %broadcast_in_dim3A_91 = vector.shape_cast %mul3A_90 : vector<2048xf32> to vector<2048x1xf32>
    %broadcast_in_dim3A_92 = vector.shape_cast %broadcast_in_dim3A_91 : vector<2048x1xf32> to vector<2048x1xf32>
    %broadcast_in_dim3A_93 = vector.broadcast %broadcast_in_dim3A_92 : vector<2048x1xf32> to vector<2048x16xf32>
    %swap3A_94 = arith.constant 0 : index
    %swap3A_95 = arith.constant 0 : index
    %swap3A_96 = arith.constant 0 : index
    %swap3A_97 = vector.load %arg5[%swap3A_94, %swap3A_95, %swap3A_96] : memref<3x2048x16xf32, #tpu.memory_space<vmem>>, vector<1x2048x16xf32>
    %swap3A_98 = vector.shape_cast %swap3A_97 : vector<1x2048x16xf32> to vector<2048x16xf32>
    %swap3A_99 = vector.shape_cast %broadcast_in_dim3A_93 : vector<2048x16xf32> to vector<1x2048x16xf32>
    tpu.vector_store %arg5[%swap3A_94, %swap3A_95, %swap3A_96], %swap3A_99 {strides = array<i32>} : memref<3x2048x16xf32, #tpu.memory_space<vmem>>, vector<1x2048x16xf32>,
    %mul3A_100 = arith.constant 1024 : i32
    %mul3A_101 = arith.muli %arg0, %mul3A_100 : i32
    %add3A_102 = vector.broadcast %mul3A_101 : i32 to vector<2048xi32>
    %add3A_103 = arith.addi %reduce_min3A_47, %add3A_102 : vector<2048xi32>
    %swap3A_104 = arith.constant 1 : index
    %swap3A_105 = arith.constant 0 : index
    %swap3A_106 = vector.load %arg4[%swap3A_104, %swap3A_105] : memref<3x2048xi32, #tpu.memory_space<vmem>>, vector<1x2048xi32>
    %swap3A_107 = vector.shape_cast %swap3A_106 : vector<1x2048xi32> to vector<2048xi32>
    %swap3A_108 = vector.shape_cast %add3A_103 : vector<2048xi32> to vector<1x2048xi32>
    tpu.vector_store %arg4[%swap3A_104, %swap3A_105], %swap3A_108 {strides = array<i32>} : memref<3x2048xi32, #tpu.memory_space<vmem>>, vector<1x2048xi32>,
    %mul3A_109 = arith.mulf %min3A_54, %div3A_81 : vector<2048xf32>
    %broadcast_in_dim3A_110 = vector.shape_cast %mul3A_109 : vector<2048xf32> to vector<2048x1xf32>
    %broadcast_in_dim3A_111 = vector.shape_cast %broadcast_in_dim3A_110 : vector<2048x1xf32> to vector<2048x1xf32>
    %broadcast_in_dim3A_112 = vector.broadcast %broadcast_in_dim3A_111 : vector<2048x1xf32> to vector<2048x16xf32>
    %swap3A_113 = arith.constant 1 : index
    %swap3A_114 = arith.constant 0 : index
    %swap3A_115 = arith.constant 0 : index
    %swap3A_116 = vector.load %arg5[%swap3A_113, %swap3A_114, %swap3A_115] : memref<3x2048x16xf32, #tpu.memory_space<vmem>>, vector<1x2048x16xf32>
    %swap3A_117 = vector.shape_cast %swap3A_116 : vector<1x2048x16xf32> to vector<2048x16xf32>
    %swap3A_118 = vector.shape_cast %broadcast_in_dim3A_112 : vector<2048x16xf32> to vector<1x2048x16xf32>
    tpu.vector_store %arg5[%swap3A_113, %swap3A_114, %swap3A_115], %swap3A_118 {strides = array<i32>} : memref<3x2048x16xf32, #tpu.memory_space<vmem>>, vector<1x2048x16xf32>,
    %mul3A_119 = arith.constant 1024 : i32
    %mul3A_120 = arith.muli %arg0, %mul3A_119 : i32
    %add3A_121 = vector.broadcast %mul3A_120 : i32 to vector<2048xi32>
    %add3A_122 = arith.addi %reduce_min3A_70, %add3A_121 : vector<2048xi32>
    %swap3A_123 = arith.constant 2 : index
    %swap3A_124 = arith.constant 0 : index
    %swap3A_125 = vector.load %arg4[%swap3A_123, %swap3A_124] : memref<3x2048xi32, #tpu.memory_space<vmem>>, vector<1x2048xi32>
    %swap3A_126 = vector.shape_cast %swap3A_125 : vector<1x2048xi32> to vector<2048xi32>
    %swap3A_127 = vector.shape_cast %add3A_122 : vector<2048xi32> to vector<1x2048xi32>
    tpu.vector_store %arg4[%swap3A_123, %swap3A_124], %swap3A_127 {strides = array<i32>} : memref<3x2048xi32, #tpu.memory_space<vmem>>, vector<1x2048xi32>,
    %mul3A_128 = arith.mulf %min3A_77, %div3A_81 : vector<2048xf32>
    %broadcast_in_dim3A_129 = vector.shape_cast %mul3A_128 : vector<2048xf32> to vector<2048x1xf32>
    %broadcast_in_dim3A_130 = vector.shape_cast %broadcast_in_dim3A_129 : vector<2048x1xf32> to vector<2048x1xf32>
    %broadcast_in_dim3A_131 = vector.broadcast %broadcast_in_dim3A_130 : vector<2048x1xf32> to vector<2048x16xf32>
    %swap3A_132 = arith.constant 2 : index
    %swap3A_133 = arith.constant 0 : index
    %swap3A_134 = arith.constant 0 : index
    %swap3A_135 = vector.load %arg5[%swap3A_132, %swap3A_133, %swap3A_134] : memref<3x2048x16xf32, #tpu.memory_space<vmem>>, vector<1x2048x16xf32>
    %swap3A_136 = vector.shape_cast %swap3A_135 : vector<1x2048x16xf32> to vector<2048x16xf32>
    %swap3A_137 = vector.shape_cast %broadcast_in_dim3A_131 : vector<2048x16xf32> to vector<1x2048x16xf32>
    tpu.vector_store %arg5[%swap3A_132, %swap3A_133, %swap3A_134], %swap3A_137 {strides = array<i32>} : memref<3x2048x16xf32, #tpu.memory_space<vmem>>, vector<1x2048x16xf32>,
    return
  }
  func.func @transform_0(%arg0: i32, %arg1: i32) -> (i32, i32, i32) {
    %c0_i32 = arith.constant 0 : i32
    %c0_i32_0 = arith.constant 0 : i32
    return %arg0, %arg1, %c0_i32 : i32, i32, i32
  }
  func.func @transform_1(%arg0: i32, %arg1: i32) -> (i32, i32, i32) {
    %c0_i32 = arith.constant 0 : i32
    %c0_i32_0 = arith.constant 0 : i32
    %c0_i32_1 = arith.constant 0 : i32
    return %arg0, %c0_i32, %c0_i32_0 : i32, i32, i32
  }
  func.func @transform_2(%arg0: i32, %arg1: i32) -> (i32, i32) {
    %mul3A = arith.constant 2 : i32
    %mul3A_0 = arith.muli %arg0, %mul3A : i32
    %add3A = arith.addi %mul3A_0, %arg1 : i32
    %c0_i32 = arith.constant 0 : i32
    %c0_i32_1 = arith.constant 0 : i32
    return %c0_i32, %add3A : i32, i32
  }
  func.func @transform_3(%arg0: i32, %arg1: i32) -> (i32, i32, i32) {
    %mul3A = arith.constant 2 : i32
    %mul3A_0 = arith.muli %arg0, %mul3A : i32
    %add3A = arith.addi %mul3A_0, %arg1 : i32
    %c0_i32 = arith.constant 0 : i32
    %c0_i32_1 = arith.constant 0 : i32
    %c0_i32_2 = arith.constant 0 : i32
    return %c0_i32, %add3A, %c0_i32_1 : i32, i32, i32
  }
}

module attributes {stable_mosaic.version = 14 : i64} {
  func.func @_pass_asm(%arg0: i32, %arg1: i32, %arg2: memref<2048x256xf32, #tpu.memory_space<vmem>>, %arg3: memref<1x128x2048xf32, #tpu.memory_space<vmem>>, %arg4: memref<256x128xf32, #tpu.memory_space<vmem>>, %arg5: memref<1x256xf32, #tpu.memory_space<vmem>>, %arg6: memref<1x256x2048xf32, #tpu.memory_space<vmem>>, %arg7: memref<1x256xf32, #tpu.memory_space<vmem>>, %arg8: memref<1x256xf32, #tpu.memory_space<vmem>>) attributes {dimension_semantics = [#tpu.dimension_semantics<arbitrary>, #tpu.dimension_semantics<arbitrary>], iteration_bounds = array<i64: 8, 2>, scalar_prefetch = 0 : i64, scratch_operands = 0 : i64, tpu.core_type = #tpu.core_type<tc>, window_params = [{transform_indices = @transform_0, window_bounds = array<i64: 2048, 256>}, {transform_indices = @transform_1, window_bounds = array<i64: 1, 128, 2048>}, {pipeline_mode = #tpu.pipeline_mode<synchronous>, transform_indices = @transform_2, window_bounds = array<i64: 256, 128>}, {pipeline_mode = #tpu.pipeline_mode<synchronous>, transform_indices = @transform_3, window_bounds = array<i64: 1, 256>}, {transform_indices = @transform_4, window_bounds = array<i64: 1, 256, 2048>}, {pipeline_mode = #tpu.pipeline_mode<synchronous>, transform_indices = @transform_5, window_bounds = array<i64: 1, 256>}, {pipeline_mode = #tpu.pipeline_mode<synchronous>, transform_indices = @transform_6, window_bounds = array<i64: 1, 256>}]} {
    %get3A = arith.constant 0 : index
    %get3A_0 = arith.constant 0 : index
    %get3A_1 = vector.load %arg2[%get3A, %get3A_0] : memref<2048x256xf32, #tpu.memory_space<vmem>>, vector<2048x256xf32>
    %transpose3A = tpu.transpose %get3A_1, [1, 0] : vector<2048x256xf32> -> vector<256x2048xf32>
    %get3A_2 = arith.constant 0 : index
    %get3A_3 = arith.constant 0 : index
    %get3A_4 = vector.load %arg4[%get3A_2, %get3A_3] : memref<256x128xf32, #tpu.memory_space<vmem>>, vector<256x128xf32>
    %get3A_5 = arith.constant 0 : index
    %get3A_6 = arith.constant 0 : index
    %get3A_7 = arith.constant 0 : index
    %get3A_8 = vector.load %arg3[%get3A_5, %get3A_6, %get3A_7] : memref<1x128x2048xf32, #tpu.memory_space<vmem>>, vector<1x128x2048xf32>
    %get3A_9 = vector.shape_cast %get3A_8 : vector<1x128x2048xf32> to vector<128x2048xf32>
    %dot_general3A = arith.constant dense<0.000000e+00> : vector<256x2048xf32>
    %dot_general3A_10 = tpu.matmul %get3A_4, %get3A_9, %dot_general3A {dimension_numbers = #tpu.dot_dimension_numbers<[1], [0], [0], [1], [0, 0, 1, 1], [], []>, transpose_lhs_hint = false} : vector<256x128xf32>, vector<128x2048xf32>, vector<256x2048xf32> -> vector<256x2048xf32>
    %add3A = arith.addf %transpose3A, %dot_general3A_10 : vector<256x2048xf32>
    %get3A_11 = arith.constant 0 : index
    %get3A_12 = arith.constant 0 : index
    %get3A_13 = vector.load %arg5[%get3A_11, %get3A_12] : memref<1x256xf32, #tpu.memory_space<vmem>>, vector<1x256xf32>
    %get3A_14 = vector.shape_cast %get3A_13 : vector<1x256xf32> to vector<256xf32>
    %broadcast_in_dim3A = vector.shape_cast %get3A_14 : vector<256xf32> to vector<256x1xf32>
    %add3A_15 = vector.broadcast %broadcast_in_dim3A : vector<256x1xf32> to vector<256x2048xf32>
    %add3A_16 = arith.addf %add3A, %add3A_15 : vector<256x2048xf32>
    %swap3A = arith.constant 0 : index
    %swap3A_17 = arith.constant 0 : index
    %swap3A_18 = arith.constant 0 : index
    %swap3A_19 = vector.load %arg6[%swap3A, %swap3A_17, %swap3A_18] : memref<1x256x2048xf32, #tpu.memory_space<vmem>>, vector<1x256x2048xf32>
    %swap3A_20 = vector.shape_cast %swap3A_19 : vector<1x256x2048xf32> to vector<256x2048xf32>
    %swap3A_21 = vector.shape_cast %add3A_16 : vector<256x2048xf32> to vector<1x256x2048xf32>
    tpu.vector_store %arg6[%swap3A, %swap3A_17, %swap3A_18], %swap3A_21 {strides = array<i32>} : memref<1x256x2048xf32, #tpu.memory_space<vmem>>, vector<1x256x2048xf32>,
    %reduce_sum3A = arith.constant dense<0.000000e+00> : vector<256xf32>
    %reduce_sum3A_22 = vector.multi_reduction <add>, %add3A_16, %reduce_sum3A [1] : vector<256x2048xf32> to vector<256xf32>
    %mul3A = arith.mulf %add3A_16, %add3A_16 : vector<256x2048xf32>
    %reduce_sum3A_23 = arith.constant dense<0.000000e+00> : vector<256xf32>
    %reduce_sum3A_24 = vector.multi_reduction <add>, %mul3A, %reduce_sum3A_23 [1] : vector<256x2048xf32> to vector<256xf32>
    %eq3A = arith.constant 0 : i32
    %eq3A_25 = arith.cmpi eq, %arg0, %eq3A : i32
    %eq3A_26 = arith.constant 0 : i32
    %eq3A_27 = arith.cmpi eq, %arg1, %eq3A_26 : i32
    %and3A = arith.andi %eq3A_25, %eq3A_27 : i1
    %convert_element_type3A = arith.extui %and3A : i1 to i32
    %cond3A = arith.constant 0 : i32
    %cond3A_28 = arith.cmpi ne, %convert_element_type3A, %cond3A : i32
    scf.if %cond3A_28 {
      %swap3A_33 = arith.constant 0 : index
      %swap3A_34 = arith.constant 0 : index
      %swap3A_35 = vector.load %arg7[%swap3A_33, %swap3A_34] : memref<1x256xf32, #tpu.memory_space<vmem>>, vector<1x256xf32>
      %swap3A_36 = vector.shape_cast %swap3A_35 : vector<1x256xf32> to vector<256xf32>
      %swap3A_37 = vector.shape_cast %reduce_sum3A_22 : vector<256xf32> to vector<1x256xf32>
      tpu.vector_store %arg7[%swap3A_33, %swap3A_34], %swap3A_37 {strides = array<i32>} : memref<1x256xf32, #tpu.memory_space<vmem>>, vector<1x256xf32>,
      %swap3A_38 = arith.constant 0 : index
      %swap3A_39 = arith.constant 0 : index
      %swap3A_40 = vector.load %arg8[%swap3A_38, %swap3A_39] : memref<1x256xf32, #tpu.memory_space<vmem>>, vector<1x256xf32>
      %swap3A_41 = vector.shape_cast %swap3A_40 : vector<1x256xf32> to vector<256xf32>
      %swap3A_42 = vector.shape_cast %reduce_sum3A_24 : vector<256xf32> to vector<1x256xf32>
      tpu.vector_store %arg8[%swap3A_38, %swap3A_39], %swap3A_42 {strides = array<i32>} : memref<1x256xf32, #tpu.memory_space<vmem>>, vector<1x256xf32>,
    } else {
    }
    %not3A = arith.constant true
    %not3A_29 = arith.xori %and3A, %not3A : i1
    %convert_element_type3A_30 = arith.extui %not3A_29 : i1 to i32
    %cond3A_31 = arith.constant 0 : i32
    %cond3A_32 = arith.cmpi ne, %convert_element_type3A_30, %cond3A_31 : i32
    scf.if %cond3A_32 {
      %get3A_33 = arith.constant 0 : index
      %get3A_34 = arith.constant 0 : index
      %get3A_35 = vector.load %arg7[%get3A_33, %get3A_34] : memref<1x256xf32, #tpu.memory_space<vmem>>, vector<1x256xf32>
      %get3A_36 = vector.shape_cast %get3A_35 : vector<1x256xf32> to vector<256xf32>
      %add3A_37 = arith.addf %get3A_36, %reduce_sum3A_22 : vector<256xf32>
      %swap3A_38 = arith.constant 0 : index
      %swap3A_39 = arith.constant 0 : index
      %swap3A_40 = vector.load %arg7[%swap3A_38, %swap3A_39] : memref<1x256xf32, #tpu.memory_space<vmem>>, vector<1x256xf32>
      %swap3A_41 = vector.shape_cast %swap3A_40 : vector<1x256xf32> to vector<256xf32>
      %swap3A_42 = vector.shape_cast %add3A_37 : vector<256xf32> to vector<1x256xf32>
      tpu.vector_store %arg7[%swap3A_38, %swap3A_39], %swap3A_42 {strides = array<i32>} : memref<1x256xf32, #tpu.memory_space<vmem>>, vector<1x256xf32>,
      %get3A_43 = arith.constant 0 : index
      %get3A_44 = arith.constant 0 : index
      %get3A_45 = vector.load %arg8[%get3A_43, %get3A_44] : memref<1x256xf32, #tpu.memory_space<vmem>>, vector<1x256xf32>
      %get3A_46 = vector.shape_cast %get3A_45 : vector<1x256xf32> to vector<256xf32>
      %add3A_47 = arith.addf %get3A_46, %reduce_sum3A_24 : vector<256xf32>
      %swap3A_48 = arith.constant 0 : index
      %swap3A_49 = arith.constant 0 : index
      %swap3A_50 = vector.load %arg8[%swap3A_48, %swap3A_49] : memref<1x256xf32, #tpu.memory_space<vmem>>, vector<1x256xf32>
      %swap3A_51 = vector.shape_cast %swap3A_50 : vector<1x256xf32> to vector<256xf32>
      %swap3A_52 = vector.shape_cast %add3A_47 : vector<256xf32> to vector<1x256xf32>
      tpu.vector_store %arg8[%swap3A_48, %swap3A_49], %swap3A_52 {strides = array<i32>} : memref<1x256xf32, #tpu.memory_space<vmem>>, vector<1x256xf32>,
    } else {
    }
    return
  }
  func.func @transform_0(%arg0: i32, %arg1: i32) -> (i32, i32) {
    %mul3A = arith.constant 2 : i32
    %mul3A_0 = arith.muli %arg0, %mul3A : i32
    %add3A = arith.addi %mul3A_0, %arg1 : i32
    %c0_i32 = arith.constant 0 : i32
    %c0_i32_1 = arith.constant 0 : i32
    return %add3A, %c0_i32 : i32, i32
  }
  func.func @transform_1(%arg0: i32, %arg1: i32) -> (i32, i32, i32) {
    %c0_i32 = arith.constant 0 : i32
    %c0_i32_0 = arith.constant 0 : i32
    return %arg0, %c0_i32, %arg1 : i32, i32, i32
  }
  func.func @transform_2(%arg0: i32, %arg1: i32) -> (i32, i32) {
    %c0_i32 = arith.constant 0 : i32
    %c0_i32_0 = arith.constant 0 : i32
    %c0_i32_1 = arith.constant 0 : i32
    return %c0_i32, %c0_i32_0 : i32, i32
  }
  func.func @transform_3(%arg0: i32, %arg1: i32) -> (i32, i32) {
    %c0_i32 = arith.constant 0 : i32
    %c0_i32_0 = arith.constant 0 : i32
    %c0_i32_1 = arith.constant 0 : i32
    return %c0_i32, %c0_i32_0 : i32, i32
  }
  func.func @transform_4(%arg0: i32, %arg1: i32) -> (i32, i32, i32) {
    %c0_i32 = arith.constant 0 : i32
    %c0_i32_0 = arith.constant 0 : i32
    return %arg0, %c0_i32, %arg1 : i32, i32, i32
  }
  func.func @transform_5(%arg0: i32, %arg1: i32) -> (i32, i32) {
    %c0_i32 = arith.constant 0 : i32
    %c0_i32_0 = arith.constant 0 : i32
    %c0_i32_1 = arith.constant 0 : i32
    return %c0_i32, %c0_i32_0 : i32, i32
  }
  func.func @transform_6(%arg0: i32, %arg1: i32) -> (i32, i32) {
    %c0_i32 = arith.constant 0 : i32
    %c0_i32_0 = arith.constant 0 : i32
    %c0_i32_1 = arith.constant 0 : i32
    return %c0_i32, %c0_i32_0 : i32, i32
  }
}

module attributes {stable_mosaic.version = 14 : i64} {
  func.func @_pass_b(%arg0: i32, %arg1: i32, %arg2: memref<1x256x2048xf32, #tpu.memory_space<vmem>>, %arg3: memref<1x256xf32, #tpu.memory_space<vmem>>, %arg4: memref<1x256xf32, #tpu.memory_space<vmem>>, %arg5: memref<1x256xf32, #tpu.memory_space<vmem>>, %arg6: memref<1x256xf32, #tpu.memory_space<vmem>>, %arg7: memref<128x256xf32, #tpu.memory_space<vmem>>, %arg8: memref<1x128xf32, #tpu.memory_space<vmem>>, %arg9: memref<1x128x2048xf32, #tpu.memory_space<vmem>>, %arg10: memref<1x128xf32, #tpu.memory_space<vmem>>, %arg11: memref<1x128xf32, #tpu.memory_space<vmem>>) attributes {dimension_semantics = [#tpu.dimension_semantics<arbitrary>, #tpu.dimension_semantics<arbitrary>], iteration_bounds = array<i64: 8, 2>, scalar_prefetch = 0 : i64, scratch_operands = 0 : i64, tpu.core_type = #tpu.core_type<tc>, window_params = [{transform_indices = @transform_0, window_bounds = array<i64: 1, 256, 2048>}, {pipeline_mode = #tpu.pipeline_mode<synchronous>, transform_indices = @transform_1, window_bounds = array<i64: 1, 256>}, {pipeline_mode = #tpu.pipeline_mode<synchronous>, transform_indices = @transform_2, window_bounds = array<i64: 1, 256>}, {pipeline_mode = #tpu.pipeline_mode<synchronous>, transform_indices = @transform_3, window_bounds = array<i64: 1, 256>}, {pipeline_mode = #tpu.pipeline_mode<synchronous>, transform_indices = @transform_4, window_bounds = array<i64: 1, 256>}, {pipeline_mode = #tpu.pipeline_mode<synchronous>, transform_indices = @transform_5, window_bounds = array<i64: 128, 256>}, {pipeline_mode = #tpu.pipeline_mode<synchronous>, transform_indices = @transform_6, window_bounds = array<i64: 1, 128>}, {transform_indices = @transform_7, window_bounds = array<i64: 1, 128, 2048>}, {pipeline_mode = #tpu.pipeline_mode<synchronous>, transform_indices = @transform_8, window_bounds = array<i64: 1, 128>}, {pipeline_mode = #tpu.pipeline_mode<synchronous>, transform_indices = @transform_9, window_bounds = array<i64: 1, 128>}]} {
    %get3A = arith.constant 0 : index
    %get3A_0 = arith.constant 0 : index
    %get3A_1 = vector.load %arg3[%get3A, %get3A_0] : memref<1x256xf32, #tpu.memory_space<vmem>>, vector<1x256xf32>
    %get3A_2 = vector.shape_cast %get3A_1 : vector<1x256xf32> to vector<256xf32>
    %div3A = arith.constant 3.276800e+04 : f32
    %div3A_3 = vector.broadcast %div3A : f32 to vector<256xf32>
    %div3A_4 = arith.divf %get3A_2, %div3A_3 : vector<256xf32>
    %get3A_5 = arith.constant 0 : index
    %get3A_6 = arith.constant 0 : index
    %get3A_7 = vector.load %arg4[%get3A_5, %get3A_6] : memref<1x256xf32, #tpu.memory_space<vmem>>, vector<1x256xf32>
    %get3A_8 = vector.shape_cast %get3A_7 : vector<1x256xf32> to vector<256xf32>
    %div3A_9 = arith.constant 3.276800e+04 : f32
    %div3A_10 = vector.broadcast %div3A_9 : f32 to vector<256xf32>
    %div3A_11 = arith.divf %get3A_8, %div3A_10 : vector<256xf32>
    %mul3A = arith.mulf %div3A_4, %div3A_4 : vector<256xf32>
    %sub3A = arith.subf %div3A_11, %mul3A : vector<256xf32>
    %add3A = arith.constant 9.99999974E-6 : f32
    %add3A_12 = vector.broadcast %add3A : f32 to vector<256xf32>
    %add3A_13 = arith.addf %sub3A, %add3A_12 : vector<256xf32>
    %rsqrt3A = math.rsqrt %add3A_13 : vector<256xf32>
    %get3A_14 = arith.constant 0 : index
    %get3A_15 = arith.constant 0 : index
    %get3A_16 = vector.load %arg5[%get3A_14, %get3A_15] : memref<1x256xf32, #tpu.memory_space<vmem>>, vector<1x256xf32>
    %get3A_17 = vector.shape_cast %get3A_16 : vector<1x256xf32> to vector<256xf32>
    %mul3A_18 = arith.mulf %rsqrt3A, %get3A_17 : vector<256xf32>
    %get3A_19 = arith.constant 0 : index
    %get3A_20 = arith.constant 0 : index
    %get3A_21 = vector.load %arg6[%get3A_19, %get3A_20] : memref<1x256xf32, #tpu.memory_space<vmem>>, vector<1x256xf32>
    %get3A_22 = vector.shape_cast %get3A_21 : vector<1x256xf32> to vector<256xf32>
    %mul3A_23 = arith.mulf %div3A_4, %mul3A_18 : vector<256xf32>
    %sub3A_24 = arith.subf %get3A_22, %mul3A_23 : vector<256xf32>
    %get3A_25 = arith.constant 0 : index
    %get3A_26 = arith.constant 0 : index
    %get3A_27 = arith.constant 0 : index
    %get3A_28 = vector.load %arg2[%get3A_25, %get3A_26, %get3A_27] : memref<1x256x2048xf32, #tpu.memory_space<vmem>>, vector<1x256x2048xf32>
    %get3A_29 = vector.shape_cast %get3A_28 : vector<1x256x2048xf32> to vector<256x2048xf32>
    %broadcast_in_dim3A = vector.shape_cast %mul3A_18 : vector<256xf32> to vector<256x1xf32>
    %mul3A_30 = vector.broadcast %broadcast_in_dim3A : vector<256x1xf32> to vector<256x2048xf32>
    %mul3A_31 = arith.mulf %get3A_29, %mul3A_30 : vector<256x2048xf32>
    %broadcast_in_dim3A_32 = vector.shape_cast %sub3A_24 : vector<256xf32> to vector<256x1xf32>
    %add3A_33 = vector.broadcast %broadcast_in_dim3A_32 : vector<256x1xf32> to vector<256x2048xf32>
    %add3A_34 = arith.addf %mul3A_31, %add3A_33 : vector<256x2048xf32>
    %max3A = arith.constant 0.000000e+00 : f32
    %max3A_35 = vector.broadcast %max3A : f32 to vector<256x2048xf32>
    %max3A_36 = arith.maximumf %add3A_34, %max3A_35 : vector<256x2048xf32>
    %get3A_37 = arith.constant 0 : index
    %get3A_38 = arith.constant 0 : index
    %get3A_39 = vector.load %arg7[%get3A_37, %get3A_38] : memref<128x256xf32, #tpu.memory_space<vmem>>, vector<128x256xf32>
    %dot_general3A = arith.constant dense<0.000000e+00> : vector<128x2048xf32>
    %dot_general3A_40 = tpu.matmul %get3A_39, %max3A_36, %dot_general3A {dimension_numbers = #tpu.dot_dimension_numbers<[1], [0], [0], [1], [0, 0, 1, 1], [], []>, transpose_lhs_hint = false} : vector<128x256xf32>, vector<256x2048xf32>, vector<128x2048xf32> -> vector<128x2048xf32>
    %get3A_41 = arith.constant 0 : index
    %get3A_42 = arith.constant 0 : index
    %get3A_43 = vector.load %arg8[%get3A_41, %get3A_42] : memref<1x128xf32, #tpu.memory_space<vmem>>, vector<1x128xf32>
    %get3A_44 = vector.shape_cast %get3A_43 : vector<1x128xf32> to vector<128xf32>
    %broadcast_in_dim3A_45 = vector.shape_cast %get3A_44 : vector<128xf32> to vector<128x1xf32>
    %add3A_46 = vector.broadcast %broadcast_in_dim3A_45 : vector<128x1xf32> to vector<128x2048xf32>
    %add3A_47 = arith.addf %dot_general3A_40, %add3A_46 : vector<128x2048xf32>
    %swap3A = arith.constant 0 : index
    %swap3A_48 = arith.constant 0 : index
    %swap3A_49 = arith.constant 0 : index
    %swap3A_50 = vector.load %arg9[%swap3A, %swap3A_48, %swap3A_49] : memref<1x128x2048xf32, #tpu.memory_space<vmem>>, vector<1x128x2048xf32>
    %swap3A_51 = vector.shape_cast %swap3A_50 : vector<1x128x2048xf32> to vector<128x2048xf32>
    %swap3A_52 = vector.shape_cast %add3A_47 : vector<128x2048xf32> to vector<1x128x2048xf32>
    tpu.vector_store %arg9[%swap3A, %swap3A_48, %swap3A_49], %swap3A_52 {strides = array<i32>} : memref<1x128x2048xf32, #tpu.memory_space<vmem>>, vector<1x128x2048xf32>,
    %reduce_sum3A = arith.constant dense<0.000000e+00> : vector<128xf32>
    %reduce_sum3A_53 = vector.multi_reduction <add>, %add3A_47, %reduce_sum3A [1] : vector<128x2048xf32> to vector<128xf32>
    %mul3A_54 = arith.mulf %add3A_47, %add3A_47 : vector<128x2048xf32>
    %reduce_sum3A_55 = arith.constant dense<0.000000e+00> : vector<128xf32>
    %reduce_sum3A_56 = vector.multi_reduction <add>, %mul3A_54, %reduce_sum3A_55 [1] : vector<128x2048xf32> to vector<128xf32>
    %eq3A = arith.constant 0 : i32
    %eq3A_57 = arith.cmpi eq, %arg0, %eq3A : i32
    %eq3A_58 = arith.constant 0 : i32
    %eq3A_59 = arith.cmpi eq, %arg1, %eq3A_58 : i32
    %and3A = arith.andi %eq3A_57, %eq3A_59 : i1
    %convert_element_type3A = arith.extui %and3A : i1 to i32
    %cond3A = arith.constant 0 : i32
    %cond3A_60 = arith.cmpi ne, %convert_element_type3A, %cond3A : i32
    scf.if %cond3A_60 {
      %swap3A_65 = arith.constant 0 : index
      %swap3A_66 = arith.constant 0 : index
      %swap3A_67 = vector.load %arg10[%swap3A_65, %swap3A_66] : memref<1x128xf32, #tpu.memory_space<vmem>>, vector<1x128xf32>
      %swap3A_68 = vector.shape_cast %swap3A_67 : vector<1x128xf32> to vector<128xf32>
      %swap3A_69 = vector.shape_cast %reduce_sum3A_53 : vector<128xf32> to vector<1x128xf32>
      tpu.vector_store %arg10[%swap3A_65, %swap3A_66], %swap3A_69 {strides = array<i32>} : memref<1x128xf32, #tpu.memory_space<vmem>>, vector<1x128xf32>,
      %swap3A_70 = arith.constant 0 : index
      %swap3A_71 = arith.constant 0 : index
      %swap3A_72 = vector.load %arg11[%swap3A_70, %swap3A_71] : memref<1x128xf32, #tpu.memory_space<vmem>>, vector<1x128xf32>
      %swap3A_73 = vector.shape_cast %swap3A_72 : vector<1x128xf32> to vector<128xf32>
      %swap3A_74 = vector.shape_cast %reduce_sum3A_56 : vector<128xf32> to vector<1x128xf32>
      tpu.vector_store %arg11[%swap3A_70, %swap3A_71], %swap3A_74 {strides = array<i32>} : memref<1x128xf32, #tpu.memory_space<vmem>>, vector<1x128xf32>,
    } else {
    }
    %not3A = arith.constant true
    %not3A_61 = arith.xori %and3A, %not3A : i1
    %convert_element_type3A_62 = arith.extui %not3A_61 : i1 to i32
    %cond3A_63 = arith.constant 0 : i32
    %cond3A_64 = arith.cmpi ne, %convert_element_type3A_62, %cond3A_63 : i32
    scf.if %cond3A_64 {
      %get3A_65 = arith.constant 0 : index
      %get3A_66 = arith.constant 0 : index
      %get3A_67 = vector.load %arg10[%get3A_65, %get3A_66] : memref<1x128xf32, #tpu.memory_space<vmem>>, vector<1x128xf32>
      %get3A_68 = vector.shape_cast %get3A_67 : vector<1x128xf32> to vector<128xf32>
      %add3A_69 = arith.addf %get3A_68, %reduce_sum3A_53 : vector<128xf32>
      %swap3A_70 = arith.constant 0 : index
      %swap3A_71 = arith.constant 0 : index
      %swap3A_72 = vector.load %arg10[%swap3A_70, %swap3A_71] : memref<1x128xf32, #tpu.memory_space<vmem>>, vector<1x128xf32>
      %swap3A_73 = vector.shape_cast %swap3A_72 : vector<1x128xf32> to vector<128xf32>
      %swap3A_74 = vector.shape_cast %add3A_69 : vector<128xf32> to vector<1x128xf32>
      tpu.vector_store %arg10[%swap3A_70, %swap3A_71], %swap3A_74 {strides = array<i32>} : memref<1x128xf32, #tpu.memory_space<vmem>>, vector<1x128xf32>,
      %get3A_75 = arith.constant 0 : index
      %get3A_76 = arith.constant 0 : index
      %get3A_77 = vector.load %arg11[%get3A_75, %get3A_76] : memref<1x128xf32, #tpu.memory_space<vmem>>, vector<1x128xf32>
      %get3A_78 = vector.shape_cast %get3A_77 : vector<1x128xf32> to vector<128xf32>
      %add3A_79 = arith.addf %get3A_78, %reduce_sum3A_56 : vector<128xf32>
      %swap3A_80 = arith.constant 0 : index
      %swap3A_81 = arith.constant 0 : index
      %swap3A_82 = vector.load %arg11[%swap3A_80, %swap3A_81] : memref<1x128xf32, #tpu.memory_space<vmem>>, vector<1x128xf32>
      %swap3A_83 = vector.shape_cast %swap3A_82 : vector<1x128xf32> to vector<128xf32>
      %swap3A_84 = vector.shape_cast %add3A_79 : vector<128xf32> to vector<1x128xf32>
      tpu.vector_store %arg11[%swap3A_80, %swap3A_81], %swap3A_84 {strides = array<i32>} : memref<1x128xf32, #tpu.memory_space<vmem>>, vector<1x128xf32>,
    } else {
    }
    return
  }
  func.func @transform_0(%arg0: i32, %arg1: i32) -> (i32, i32, i32) {
    %c0_i32 = arith.constant 0 : i32
    %c0_i32_0 = arith.constant 0 : i32
    return %arg0, %c0_i32, %arg1 : i32, i32, i32
  }
  func.func @transform_1(%arg0: i32, %arg1: i32) -> (i32, i32) {
    %c0_i32 = arith.constant 0 : i32
    %c0_i32_0 = arith.constant 0 : i32
    %c0_i32_1 = arith.constant 0 : i32
    return %c0_i32, %c0_i32_0 : i32, i32
  }
  func.func @transform_2(%arg0: i32, %arg1: i32) -> (i32, i32) {
    %c0_i32 = arith.constant 0 : i32
    %c0_i32_0 = arith.constant 0 : i32
    %c0_i32_1 = arith.constant 0 : i32
    return %c0_i32, %c0_i32_0 : i32, i32
  }
  func.func @transform_3(%arg0: i32, %arg1: i32) -> (i32, i32) {
    %c0_i32 = arith.constant 0 : i32
    %c0_i32_0 = arith.constant 0 : i32
    %c0_i32_1 = arith.constant 0 : i32
    return %c0_i32, %c0_i32_0 : i32, i32
  }
  func.func @transform_4(%arg0: i32, %arg1: i32) -> (i32, i32) {
    %c0_i32 = arith.constant 0 : i32
    %c0_i32_0 = arith.constant 0 : i32
    %c0_i32_1 = arith.constant 0 : i32
    return %c0_i32, %c0_i32_0 : i32, i32
  }
  func.func @transform_5(%arg0: i32, %arg1: i32) -> (i32, i32) {
    %c0_i32 = arith.constant 0 : i32
    %c0_i32_0 = arith.constant 0 : i32
    %c0_i32_1 = arith.constant 0 : i32
    return %c0_i32, %c0_i32_0 : i32, i32
  }
  func.func @transform_6(%arg0: i32, %arg1: i32) -> (i32, i32) {
    %c0_i32 = arith.constant 0 : i32
    %c0_i32_0 = arith.constant 0 : i32
    %c0_i32_1 = arith.constant 0 : i32
    return %c0_i32, %c0_i32_0 : i32, i32
  }
  func.func @transform_7(%arg0: i32, %arg1: i32) -> (i32, i32, i32) {
    %c0_i32 = arith.constant 0 : i32
    %c0_i32_0 = arith.constant 0 : i32
    return %arg0, %c0_i32, %arg1 : i32, i32, i32
  }
  func.func @transform_8(%arg0: i32, %arg1: i32) -> (i32, i32) {
    %c0_i32 = arith.constant 0 : i32
    %c0_i32_0 = arith.constant 0 : i32
    %c0_i32_1 = arith.constant 0 : i32
    return %c0_i32, %c0_i32_0 : i32, i32
  }
  func.func @transform_9(%arg0: i32, %arg1: i32) -> (i32, i32) {
    %c0_i32 = arith.constant 0 : i32
    %c0_i32_0 = arith.constant 0 : i32
    %c0_i32_1 = arith.constant 0 : i32
    return %c0_i32, %c0_i32_0 : i32, i32
  }
}

module attributes {stable_mosaic.version = 14 : i64} {
  func.func @_pass_c(%arg0: i32, %arg1: i32, %arg2: memref<1x128x2048xf32, #tpu.memory_space<vmem>>, %arg3: memref<1x128xf32, #tpu.memory_space<vmem>>, %arg4: memref<1x128xf32, #tpu.memory_space<vmem>>, %arg5: memref<1x128xf32, #tpu.memory_space<vmem>>, %arg6: memref<1x128xf32, #tpu.memory_space<vmem>>, %arg7: memref<1x128x2048xf32, #tpu.memory_space<vmem>>) attributes {dimension_semantics = [#tpu.dimension_semantics<arbitrary>, #tpu.dimension_semantics<arbitrary>], iteration_bounds = array<i64: 8, 2>, scalar_prefetch = 0 : i64, scratch_operands = 0 : i64, tpu.core_type = #tpu.core_type<tc>, window_params = [{transform_indices = @transform_0, window_bounds = array<i64: 1, 128, 2048>}, {pipeline_mode = #tpu.pipeline_mode<synchronous>, transform_indices = @transform_1, window_bounds = array<i64: 1, 128>}, {pipeline_mode = #tpu.pipeline_mode<synchronous>, transform_indices = @transform_2, window_bounds = array<i64: 1, 128>}, {pipeline_mode = #tpu.pipeline_mode<synchronous>, transform_indices = @transform_3, window_bounds = array<i64: 1, 128>}, {pipeline_mode = #tpu.pipeline_mode<synchronous>, transform_indices = @transform_4, window_bounds = array<i64: 1, 128>}, {transform_indices = @transform_5, window_bounds = array<i64: 1, 128, 2048>}]} {
    %get3A = arith.constant 0 : index
    %get3A_0 = arith.constant 0 : index
    %get3A_1 = vector.load %arg3[%get3A, %get3A_0] : memref<1x128xf32, #tpu.memory_space<vmem>>, vector<1x128xf32>
    %get3A_2 = vector.shape_cast %get3A_1 : vector<1x128xf32> to vector<128xf32>
    %div3A = arith.constant 3.276800e+04 : f32
    %div3A_3 = vector.broadcast %div3A : f32 to vector<128xf32>
    %div3A_4 = arith.divf %get3A_2, %div3A_3 : vector<128xf32>
    %get3A_5 = arith.constant 0 : index
    %get3A_6 = arith.constant 0 : index
    %get3A_7 = vector.load %arg4[%get3A_5, %get3A_6] : memref<1x128xf32, #tpu.memory_space<vmem>>, vector<1x128xf32>
    %get3A_8 = vector.shape_cast %get3A_7 : vector<1x128xf32> to vector<128xf32>
    %div3A_9 = arith.constant 3.276800e+04 : f32
    %div3A_10 = vector.broadcast %div3A_9 : f32 to vector<128xf32>
    %div3A_11 = arith.divf %get3A_8, %div3A_10 : vector<128xf32>
    %mul3A = arith.mulf %div3A_4, %div3A_4 : vector<128xf32>
    %sub3A = arith.subf %div3A_11, %mul3A : vector<128xf32>
    %add3A = arith.constant 9.99999974E-6 : f32
    %add3A_12 = vector.broadcast %add3A : f32 to vector<128xf32>
    %add3A_13 = arith.addf %sub3A, %add3A_12 : vector<128xf32>
    %rsqrt3A = math.rsqrt %add3A_13 : vector<128xf32>
    %get3A_14 = arith.constant 0 : index
    %get3A_15 = arith.constant 0 : index
    %get3A_16 = vector.load %arg5[%get3A_14, %get3A_15] : memref<1x128xf32, #tpu.memory_space<vmem>>, vector<1x128xf32>
    %get3A_17 = vector.shape_cast %get3A_16 : vector<1x128xf32> to vector<128xf32>
    %mul3A_18 = arith.mulf %rsqrt3A, %get3A_17 : vector<128xf32>
    %get3A_19 = arith.constant 0 : index
    %get3A_20 = arith.constant 0 : index
    %get3A_21 = vector.load %arg6[%get3A_19, %get3A_20] : memref<1x128xf32, #tpu.memory_space<vmem>>, vector<1x128xf32>
    %get3A_22 = vector.shape_cast %get3A_21 : vector<1x128xf32> to vector<128xf32>
    %mul3A_23 = arith.mulf %div3A_4, %mul3A_18 : vector<128xf32>
    %sub3A_24 = arith.subf %get3A_22, %mul3A_23 : vector<128xf32>
    %get3A_25 = arith.constant 0 : index
    %get3A_26 = arith.constant 0 : index
    %get3A_27 = arith.constant 0 : index
    %get3A_28 = vector.load %arg2[%get3A_25, %get3A_26, %get3A_27] : memref<1x128x2048xf32, #tpu.memory_space<vmem>>, vector<1x128x2048xf32>
    %get3A_29 = vector.shape_cast %get3A_28 : vector<1x128x2048xf32> to vector<128x2048xf32>
    %broadcast_in_dim3A = vector.shape_cast %mul3A_18 : vector<128xf32> to vector<128x1xf32>
    %mul3A_30 = vector.broadcast %broadcast_in_dim3A : vector<128x1xf32> to vector<128x2048xf32>
    %mul3A_31 = arith.mulf %get3A_29, %mul3A_30 : vector<128x2048xf32>
    %broadcast_in_dim3A_32 = vector.shape_cast %sub3A_24 : vector<128xf32> to vector<128x1xf32>
    %add3A_33 = vector.broadcast %broadcast_in_dim3A_32 : vector<128x1xf32> to vector<128x2048xf32>
    %add3A_34 = arith.addf %mul3A_31, %add3A_33 : vector<128x2048xf32>
    %max3A = arith.constant 0.000000e+00 : f32
    %max3A_35 = vector.broadcast %max3A : f32 to vector<128x2048xf32>
    %max3A_36 = arith.maximumf %add3A_34, %max3A_35 : vector<128x2048xf32>
    %swap3A = arith.constant 0 : index
    %swap3A_37 = arith.constant 0 : index
    %swap3A_38 = arith.constant 0 : index
    %swap3A_39 = vector.load %arg7[%swap3A, %swap3A_37, %swap3A_38] : memref<1x128x2048xf32, #tpu.memory_space<vmem>>, vector<1x128x2048xf32>
    %swap3A_40 = vector.shape_cast %swap3A_39 : vector<1x128x2048xf32> to vector<128x2048xf32>
    %swap3A_41 = vector.shape_cast %max3A_36 : vector<128x2048xf32> to vector<1x128x2048xf32>
    tpu.vector_store %arg7[%swap3A, %swap3A_37, %swap3A_38], %swap3A_41 {strides = array<i32>} : memref<1x128x2048xf32, #tpu.memory_space<vmem>>, vector<1x128x2048xf32>,
    return
  }
  func.func @transform_0(%arg0: i32, %arg1: i32) -> (i32, i32, i32) {
    %c0_i32 = arith.constant 0 : i32
    %c0_i32_0 = arith.constant 0 : i32
    return %arg0, %c0_i32, %arg1 : i32, i32, i32
  }
  func.func @transform_1(%arg0: i32, %arg1: i32) -> (i32, i32) {
    %c0_i32 = arith.constant 0 : i32
    %c0_i32_0 = arith.constant 0 : i32
    %c0_i32_1 = arith.constant 0 : i32
    return %c0_i32, %c0_i32_0 : i32, i32
  }
  func.func @transform_2(%arg0: i32, %arg1: i32) -> (i32, i32) {
    %c0_i32 = arith.constant 0 : i32
    %c0_i32_0 = arith.constant 0 : i32
    %c0_i32_1 = arith.constant 0 : i32
    return %c0_i32, %c0_i32_0 : i32, i32
  }
  func.func @transform_3(%arg0: i32, %arg1: i32) -> (i32, i32) {
    %c0_i32 = arith.constant 0 : i32
    %c0_i32_0 = arith.constant 0 : i32
    %c0_i32_1 = arith.constant 0 : i32
    return %c0_i32, %c0_i32_0 : i32, i32
  }
  func.func @transform_4(%arg0: i32, %arg1: i32) -> (i32, i32) {
    %c0_i32 = arith.constant 0 : i32
    %c0_i32_0 = arith.constant 0 : i32
    %c0_i32_1 = arith.constant 0 : i32
    return %c0_i32, %c0_i32_0 : i32, i32
  }
  func.func @transform_5(%arg0: i32, %arg1: i32) -> (i32, i32, i32) {
    %c0_i32 = arith.constant 0 : i32
    %c0_i32_0 = arith.constant 0 : i32
    return %arg0, %c0_i32, %arg1 : i32, i32, i32
  }
}

</mosaic_0001>

<sc_bundles>
// kernel: kernel.8.cloned.1.call-start
scs
__scs_entry_jumppad:
0x0: {  	(pc) =	sbr.rel $0x88, $3  }
0x1: {  	(tag) =	ssettag $0x0;
	lr =	simm.s32 $0x1  }
0x2: {  	[smem:$0x3F95] =	sst lr;
	_ =	strace $0xD0000000  }
0x3: {  	_ = 	snop  }
0x4: {  	_ = 	snop  }
0x5: {  	_ = 	snop  }
0x6: {  	_ = 	snop  }
0x7: {  	_ = 	snop  }
__scs_overlays_trampoline_lowered:
0x8: {  	[smem:$0x3FA4] =	sst s0  }
0x9: {  	[smem:$0x3FA5] =	sst s1  }
0xa: {  	[smem:$0x3FA6] =	sst s2  }
0xb: {  	[smem:$0x3FA7] =	sst s3  }
0xc: {  	[smem:$0x3FA8] =	sst s4  }
0xd: {  	[smem:$0x3FA9] =	sst s5  }
0xe: {  	[smem:$0x3FAA] =	sst s6  }
0xf: {  	[smem:$0x3FAB] =	sst s7  }
0x10: {  	[smem:$0x3FAC] =	sst s8  }
0x11: {  	[smem:$0x3FAD] =	sst s9;
	s0 =	simm.s32 @!p0 $0x0  }
0x12: {  	s1 =	sld [smem:$0x3F93];
	s0 =	simm.s32 @p0 $0x1  }
0x13: {  	[smem:$0x3FAE] =	sst s0;
	s0 =	simm.s32 @!p1 $0x0  }
0x14: {  	s2 =	sld [smem:$0x3F92];
	s0 =	simm.s32 @p1 $0x1  }
0x15: {  	[smem:$0x3FAF] =	sst s0;
	s0 =	simm.s32 @!p2 $0x0  }
0x16: {  	s3 =	sld [smem:$0x3FDB];
	s0 =	simm.s32 @p2 $0x1  }
0x17: {  	s4 =	simm.s32 $0x1BF5;
	[smem:$0x3FB1] =	sst s0  }
0x18: {  	s0 =	sld [smem:$0x3F94];
	_ =	swait.ge [sflag:s4], $0x0  }
0x19: {  	s7 =	sld [smem:$0x3F95]  }
0x1a: {  	s8 =	sadd.s32 $0xFFFFE003, lr  }
0x1b: {  	s9 =	sadd.s32 $0xFFFFFEF7, lr;
	s5 =	simm.s32 $0xFFFFFFFF;
	p2 =	slt.u32 s8, $0xFFFFF086  }
0x1c: {  	p1 =	slt.u32 s9, $0xF7A;
	s5 =	simm.s32 @!p2 $0x0  }
0x1d: {  	s5 =	simm.s32 @p1 $0x1;
	p0 =	seq.s32 s7, s2  }
0x1e: {  	s7 =	smul.u32 @!p0 $0xF7A, s2;
	p2 =	seq.s32 @!p0 s5, $0x0  }
0x1f: {  	s9 =	smul.u32 $0xF7A, s1;
	s8 =	simm.s32 @!p0 $0x1BF5;
	p2 =	por !p2, p0  }
0x20: {  	[sflag:s8] =	ssyncset.s32 @!p0 $0xFFFFF086;
	s6 =	sadd.s32 @!p0 s3, s7;
	s7 =	simm.s32 @!p0 $0x108  }
0x21: {  	s3 =	sadd.s32 s3, s9;
	s6 =	sadd.s32 @!p0 $0x88, s6;
	s7 =	simm.s32 @p2 $0x1082  }
0x22: {  	[simem:s7], [sflag:s8] =	dma.local @!p0 [hbm:s6], $0xF7A  }
0x23: {  	s9 =	sor.u32 $0xD0000000, s2;
	s6 =	simm.s32 $0x108;
	_ =	swait.ge @!p0 [sflag:s8], $0x0  }
0x24: {  	s3 =	sadd.s32 $0x88, s3;
	s6 =	simm.s32 @!p1 $0x1082;
	[sflag:s4] =	ssyncset.s32 $0xFFFFF086  }
0x25: {  	[simem:s6], [sflag:s4] =	dma.local [hbm:s3], $0xF7A  }
0x26: {  	[smem:$0x3F95] =	sst s1;
	(tag) =	ssettag s2;
	_ =	strace s9  }
0x27: {  	s1 =	sld [smem:$0x3FA5]  }
0x28: {  	s2 =	sld [smem:$0x3FA6]  }
0x29: {  	s4 =	sld [smem:$0x3FA8]  }
0x2a: {  	p0 =	seq.s32 s5, $0x0;
	s5 =	sld [smem:$0x3FA9]  }
0x2b: {  	s6 =	sld [smem:$0x3FAA]  }
0x2c: {  	s7 =	sld [smem:$0x3FAB]  }
0x2d: {  	s3 =	simm.s32 $0x108;
	s8 =	sld [smem:$0x3FAC]  }
0x2e: {  	s3 =	simm.s32 @!p0 $0x1082;
	s9 =	sld [smem:$0x3FAD]  }
0x2f: {  	lr =	sadd.s32 s0, s3;
	s0 =	sld [smem:$0x3FA4]  }
0x30: {  	s3 =	sld [smem:$0x3FA7]  }
0x31: {  	[smem:$0x3FB0] =	sst s10  }
0x32: {  	s10 =	sld [smem:$0x3FAE];
	_ =	sdelay $0x3  }
0x33: {  	p0 =	seq.s32 s10, $0x1;
	s10 =	sld [smem:$0x3FB0];
	_ =	sdelay $0x3  }
0x34: {  	[smem:$0x3FB0] =	sst s10  }
0x35: {  	s10 =	sld [smem:$0x3FAF];
	_ =	sdelay $0x3  }
0x36: {  	p1 =	seq.s32 s10, $0x1;
	s10 =	sld [smem:$0x3FB0];
	_ =	sdelay $0x3  }
0x37: {  	[smem:$0x3FB0] =	sst s10  }
0x38: {  	s10 =	sld [smem:$0x3FB1]  }
0x39: {  	_ = 	snop;
	(pc) =	sbr.ind lr, $3  }
0x3a: {  	_ = 	snop  }
0x3b: {  	_ = 	snop  }
0x3c: {  	p2 =	seq.s32 s10, $0x1;
	s10 =	sld [smem:$0x3FB0]  }
0x3d: {  	_ =	shalt  }
0x3e: {  	_ =	shalt  }
0x3f: {  	_ =	shalt  }
0x40: {  	_ =	shalt  }
0x41: {  	_ =	shalt  }
0x42: {  	_ =	shalt  }
0x43: {  	_ =	shalt  }
0x44: {  	_ =	shalt  }
0x45: {  	_ =	shalt  }
0x46: {  	_ =	shalt  }
0x47: {  	_ =	shalt  }
0x48: {  	_ =	shalt  }
0x49: {  	_ =	shalt  }
0x4a: {  	_ =	shalt  }
0x4b: {  	_ =	shalt  }
0x4c: {  	_ =	shalt  }
0x4d: {  	_ =	shalt  }
0x4e: {  	_ =	shalt  }
0x4f: {  	_ =	shalt  }
0x50: {  	_ =	shalt  }
0x51: {  	_ =	shalt  }
0x52: {  	_ =	shalt  }
0x53: {  	_ =	shalt  }
0x54: {  	_ =	shalt  }
0x55: {  	_ =	shalt  }
0x56: {  	_ =	shalt  }
0x57: {  	_ =	shalt  }
0x58: {  	_ =	shalt  }
0x59: {  	_ =	shalt  }
0x5a: {  	_ =	shalt  }
0x5b: {  	_ =	shalt  }
0x5c: {  	_ =	shalt  }
0x5d: {  	_ =	shalt  }
0x5e: {  	_ =	shalt  }
0x5f: {  	_ =	shalt  }
0x60: {  	_ =	shalt  }
0x61: {  	_ =	shalt  }
0x62: {  	_ =	shalt  }
0x63: {  	_ =	shalt  }
0x64: {  	_ =	shalt  }
0x65: {  	_ =	shalt  }
0x66: {  	_ =	shalt  }
0x67: {  	_ =	shalt  }
0x68: {  	_ =	shalt  }
0x69: {  	_ =	shalt  }
0x6a: {  	_ =	shalt  }
0x6b: {  	_ =	shalt  }
0x6c: {  	_ =	shalt  }
0x6d: {  	_ =	shalt  }
0x6e: {  	_ =	shalt  }
0x6f: {  	_ =	shalt  }
0x70: {  	_ =	shalt  }
0x71: {  	_ =	shalt  }
0x72: {  	_ =	shalt  }
0x73: {  	_ =	shalt  }
0x74: {  	_ =	shalt  }
0x75: {  	_ =	shalt  }
0x76: {  	_ =	shalt  }
0x77: {  	_ =	shalt  }
0x78: {  	_ =	shalt  }
0x79: {  	_ =	shalt  }
0x7a: {  	_ =	shalt  }
0x7b: {  	_ =	shalt  }
0x7c: {  	_ =	shalt  }
0x7d: {  	_ =	shalt  }
0x7e: {  	_ =	shalt  }
0x7f: {  	_ =	shalt  }
0x80: {  	_ =	shalt  }
0x81: {  	_ =	shalt  }
0x82: {  	_ =	shalt  }
0x83: {  	_ =	shalt  }
0x84: {  	_ =	shalt  }
0x85: {  	_ =	shalt  }
0x86: {  	_ =	shalt  }
0x87: {  	_ =	shalt  }
.Lfunc_end0:
.L_simem_size_0:
called_computation_lowered:
.L_overlay_start_0:
0x88: {  	s2 =	sld [smem:$0x3FD9]  }
0x89: {  	s3 =	sld [smem:$0x3FFE];
	_ =	sdelay $0x1  }
0x8a: {  	s1 =	srdreg.scid  }
0x8b: {  	s0 =	sand.u32 $0x1, s1  }
0x8c: {  	s17 =	sshll.u32 s0, $0xA;
	s2 =	sadd.s32 s3, s2  }
0x8d: {  	s2 =	sadd.s32 s2, s17  }
0x8e: {  	[smem:$0x3FBC] =	sst s2  }
0x8f: {  	_ = 	snop  }
0x90: {  	s2 =	sld [smem:$0x3FD0];
	(tm) =	ssettm $0x1  }
0x91: {  	s18 =	sld [smem:$0x3FFB];
	_ =	sdelay $0x3  }
0x92: {  	_ =	strace s18  }
0x93: {  	s3 =	sld [smem:$0x3FFC];
	_ =	sdelay $0x3  }
0x94: {  	_ =	strace s3  }
0x95: {  	s3 =	sld [smem:$0x3FFD];
	_ =	sdelay $0x3  }
0x96: {  	_ =	strace s3  }
0x97: {  	_ =	strace $0x8FFFFFFF  }
0x98: {  	s19 =	sld [smem:$0x3FDB];
	_ =	sdelay $0x1  }
0x99: {  	s4 =	simm.s32 $_scs_section_size  }
0x9a: {  	s5 =	simm.s32 $_size__tile_overlayer_lowered;
	s6 =	simm.s32 $_tile_overlayer_lowered  }
0x9b: {  	s22 =	simm.s32 $0x1BFF;
	s21 =	sshll.u32 s6, $0x1;
	s3 =	sadd.s32 s4, s19  }
0x9c: {  	s7 =	simm.s32 $0x0;
	s20 =	sshll.u32 s5, $0x1;
	s5 =	sadd.s32 s21, s3  }
0x9d: {  	[timem:s7], [sflag:s22] =	dma.local [hbm:s5], s20  }
0x9e: {  	_ =	swait.ge [sflag:s22], s20  }
0x9f: {  	s4 =	ssub.s32 $0x0, s20;
	[sflag:s22] =	ssyncset.done $0x0  }
0xa0: {  	[sflag:s22] =	ssyncadd.s32 s4;
	_ =	sdelay $0x1  }
0xa1: {  	s23 =	simm.s32 $0x1B8B  }
0xa2: {  	_ =	swait.ge [sflag:s23], $0x1  }
0xa3: {  	[sflag:s23] =	ssyncset.done $0x0  }
0xa4: {  	s25 =	simm.s32 $0x1B8E;
	s24 =	sld [smem:$0x3FFE];
	[sflag:s23] =	ssyncadd.s32 $0xFFFFFFFF  }
0xa5: {  	s26 =	simm.s32 $execute0_lowered;
	[smem:$0x3FD2] =	sst s25  }
0xa6: {  	s5 =	sshll.u32 s26, $0x1;
	_ =	strace $0x80000046;
	[dreg:$0x1] =	wrdreg $0xFFFFFFFF  }
0xa7: {  	s28 =	simm.s32 $_size_execute0_lowered;
	s3 =	sadd.s32 s3, s5;
	[dreg:$0x0] =	wrdreg $0x0  }
0xa8: {  	s5 =	sshll.u32 s28, $0x1;
	[dreg:$0x2] =	wrdreg s3  }
0xa9: {  	[dreg:$0x3] =	wrdreg s5  }
0xaa: {  	[dreg:$0x4] =	wrdreg $0xC0  }
0xab: {  	_ =	task [dreg:s7], $0x5FFFF  }
0xac: {  	[dreg:$0x1] =	wrdreg $0xFFFFFFFF  }
0xad: {  	[dreg:$0x0] =	wrdreg $0x60  }
0xae: {  	[dreg:$0x2] =	wrdreg s2  }
0xaf: {  	[dreg:$0x3] =	wrdreg s24  }
0xb0: {  	[dreg:$0x4] =	wrdreg $0x9  }
0xb1: {  	_ =	task.clear_ibuf [dreg:s7], $0x5FFFF;
	_ =	strace $0x90000046  }
0xb2: {  	s29 =	simm.s32 $0x9;
	_ =	strace $0x80000048  }
0xb3: {  	_ =	swait.ge [sflag:s29], $0x1  }
0xb4: {  	[sflag:s29] =	ssyncadd.s32 $0xFFFFFFFF  }
0xb5: {  	_ =	strace $0x90000048  }
0xb6: {  	_ =	sfence  }
0xb7: {  	s30 =	sld [smem:$0x0];
	_ =	sdelay $0x2  }
0xb8: {  	s31 =	sshll.u32 s1, $0xD;
	s1 =	sshrl.u32 s1, $0x2  }
0xb9: {  	s3 =	sand.u32 $0x4000, s31;
	s1 =	sadd.s32 s1, s30  }
0xba: {  	s0 =	sor.u32 s3, s0;
	s1 =	sshll.u32 s1, $0x11  }
0xbb: {  	s0 =	sor.u32 s1, s0  }
0xbc: {  	s0 =	sadd.s32 $0x8F2B, s0  }
0xbd: {  	[sflag:s0] =	ssyncadd.remote.s32 $0x1  }
0xbe: {  	_ =	sfence.sel $0xFFFF  }
0xbf: {  	[dreg:$0x0] =	wrdreg $0xFFFFFFFF;
	(pc) =	sbr.abs _section_cstart, $3  }
0xc0: {  	[dreg:$0x1] =	wrdreg $0xFFFFFFFF  }
0xc1: {  	_ =	task.clear_ibuf [dreg:s7], $0x2FFFF;
	_ =	strace $0x9FFFFFFF  }
0xc2: {  	(tm) =	ssettm $0x7FFFFFFF  }
0xc3: {  	_ =	shalt  }
tec
execute0_lowered:
.L_overlay_start_1:
0x0: {  	(tag) =	ssettag $0x1  }
0x1: {  	s1 =	rddreg [dreg:$0x0]  }
0x2: {  	s0 =	rddreg [dreg:$0x1];
	s2 =	simm.s32 $0x0;
	s26 =	srdreg.scid  }
0x3: {  	s8 =	stileid.u32;
	s12 =	simm.s32 $0x2;
	s29 =	simm.s32 $0x6980  }
0x4: {  	s30 =	simm.s32 $0x7180;
	s31 =	simm.s32 $0x7980;
	s11 =	simm.s32 $0x9180  }
0x5: {  	s13 =	simm.s32 $0xA180;
	s14 =	simm.s32 $0xA980;
	s15 =	simm.s32 $0xB180  }
0x6: {  	s16 =	simm.s32 $0xB980;
	s17 =	simm.s32 $0x1;
	s18 =	simm.s32 $0x12180  }
0x7: {  	s20 =	simm.s32 $0x0;
	[smem:$0x7FF] =	sst s2;
	s4 =	sadd.s32 $0x183800, s0  }
0x8: {  	s5 =	sadd.s32 $0x3800, s0;
	s2 =	sand.u32 $0x1, s26;
	s6 =	sadd.s32 $0x187800, s0  }
0x9: {  	s8 =	sshll.u32 s8, $0xB;
	s9 =	sadd.s32 $0x83800, s0;
	s3 =	ssub.s32 $0x2, s2  }
0xa: {  	s10 =	sadd.s32 $0x103800, s0;
	s2 =	sshll.u32 s2, $0xA;
	s7 =	sshrl.u32 s3, $0x1  }
0xb: {  	v2 =	vlaneseq.u32;
	_ =	strace $0x80000047;
	s3 =	ssub.s32 s3, s7;
	s7 =	sor.u32 s2, s8  }
0xc: {  	vm0 =	vmmov $0xffff;
	v1 =	vshrl.u32 v2, $0x3;
	s8 =	sadd.s32 $0x183810, s0;
	s0 =	simm.s32 $0x8180;
	s28 =	smax.u32 s3, $0x1  }
0xd: {  	v0 =	vand.u32 $0x7, v2;
	v2 =	vor.u32 $0x8, v2;
	v1 =	vmul.u32 $0x8, v1;
	s2 =	simm.s32 $0x9980;
	s3 =	simm.s32 $0x8980;
	[dreg:$0x3] =	wrdreg s28  }
.LBB2_1:
0xe: {  	[dreg:$0x4] =	wrdreg s20;
	s19 =	simm.s32 $0x0  }
.LBB2_2:
0xf: {  	s21 =	sshll.u32 s19, $0x6  }
0x10: {  	s20 =	sadd.s32 s7, s21  }
0x11: {  	s22 =	sshll.u32 s20, $0x2  }
0x12: {  	s23 =	sand.u32 $0x40, s21;
	s26 =	sand.u32 $0x1FE00, s22  }
0x13: {  	s21 =	sor.u32 s23, s26  }
0x14: {  	s24 =	sshrl.u32 s21, $0x3  }
0x15: {  	s21 =	simm.s32 $0x0;
	s25 =	sadd.s32 s4, s24  }
0x16: {  	[tilespmem:s21], [sflag:$0x2] =	stream.linear.gather [hbm4b:s25+s21], $0x40, $0x38;
	[tilespmem:$0x16180] =	vst v63  }
0x17: {  	_ =	swait.ge [sflag:s12], $0x40  }
0x18: {  	s28 =	simm.s32 $0x80;
	[sflag:s12] =	ssyncset.done $0x0  }
0x19: {  	s22 =	sor.u32 s23, s22;
	s24 =	sadd.s32 s24, s8;
	[sflag:s12] =	ssyncadd.s32 $0xFFFFFFC0  }
0x1a: {  	[tilespmem:s28], [sflag:$0x2] =	stream.linear.gather [hbm4b:s24+s21], $0x40, $0x38;
	[tilespmem:$0x16180] =	vst v63  }
0x1b: {  	s22 =	sshrl.u32 s22, $0x3;
	_ =	swait.ge [sflag:s12], $0x40  }
0x1c: {  	s22 =	sor.u32 $0x20, s22;
	[sflag:s12] =	ssyncset.done $0x0  }
0x1d: {  	s22 =	sadd.s32 s4, s22;
	s25 =	simm.s32 $0x100;
	[sflag:s12] =	ssyncadd.s32 $0xFFFFFFC0  }
0x1e: {  	[tilespmem:s25], [sflag:$0x2] =	stream.linear.gather [hbm4b:s22+s21], $0x40, $0x38;
	[tilespmem:$0x16180] =	vst v63  }
0x1f: {  	_ =	swait.ge [sflag:s12], $0x40  }
0x20: {  	s24 =	sshll.u32 s20, $0x4;
	[sflag:s12] =	ssyncset.done $0x0  }
0x21: {  	s26 =	sadd.s32 s5, s24;
	s22 =	simm.s32 $0xC180;
	[sflag:s12] =	ssyncadd.s32 $0xFFFFFFC0  }
0x22: {  	[tilespmem:s22], [sflag:$0x2] =	stream.linear.gather [hbm4b:s26+s21], $0x2000, $0x38;
	[tilespmem:$0x16180] =	vst v63  }
0x23: {  	_ =	swait.ge [sflag:s12], $0x2000  }
0x24: {  	[sflag:s12] =	ssyncset.done $0x0  }
0x25: {  	s23 =	simm.s32 $0xE180;
	s28 =	sadd.s32 s24, s9;
	[sflag:s12] =	ssyncadd.s32 $0xFFFFE000  }
0x26: {  	[tilespmem:s23], [sflag:$0x2] =	stream.linear.gather [hbm4b:s28+s21], $0x2000, $0x38;
	[tilespmem:$0x16180] =	vst v63  }
0x27: {  	_ =	swait.ge [sflag:s12], $0x2000  }
0x28: {  	[sflag:s12] =	ssyncset.done $0x0  }
0x29: {  	s26 =	sadd.s32 s24, s10;
	s24 =	simm.s32 $0x10180;
	[sflag:s12] =	ssyncadd.s32 $0xFFFFE000  }
0x2a: {  	[tilespmem:s24], [sflag:$0x2] =	stream.linear.gather [hbm4b:s26+s21], $0x2000, $0x38;
	[tilespmem:$0x16180] =	vst v63  }
0x2b: {  	_ =	swait.ge [sflag:s12], $0x2000  }
0x2c: {  	[sflag:s12] =	ssyncset.done $0x0  }
0x2d: {  	[sflag:s12] =	ssyncadd.s32 $0xFFFFE000  }
0x2e: {  	v3 =	vld [tilespmem:$0x0];
	_ =	sdelay $0x4  }
0x2f: {  	v4 =	vshll.u32 v3, $0x1  }
0x30: {  	v3 =	vand.u32 $0x7, v3;
	v4 =	vand.u32 $0xFFFFFFF0, v4  }
0x31: {  	v3 =	vor.u32 v3, v4  }
0x32: {  	v4 =	vperm.xlane v3, v0;
	_ =	sdelay $0x1  }
0x33: {  	v3 =	vperm.xlane v3, v2;
	v4 =	vadd.s32 v1, v4;
	_ =	sdelay $0x1  }
0x34: {  	v3 =	vadd.s32 v1, v3;
	_ =	sdelay $0x1  }
0x35: {  	s28 =	simm.s32 $0x180  }
0x36: {  	[tilespmem:s28], [sflag:$0x1] =	stream.indirect_vreg.gather [hbm4b:s1+s21], $0x80, v4, vm0, $0xb8;
	[tilespmem:$0x16180] =	vst v63  }
0x37: {  	s26 =	simm.s32 $0x980  }
0x38: {  	[tilespmem:s26], [sflag:$0x1] =	stream.indirect_vreg.gather [hbm4b:s1+s21], $0x80, v3, vm0, $0xb8;
	[tilespmem:$0x16180] =	vst v63  }
0x39: {  	v3 =	vld [tilespmem:$0x10];
	_ =	sdelay $0x4  }
0x3a: {  	v53 =	vshll.u32 v3, $0x1  }
0x3b: {  	v3 =	vand.u32 $0x7, v3;
	v4 =	vand.u32 $0xFFFFFFF0, v53  }
0x3c: {  	v3 =	vor.u32 v3, v4  }
0x3d: {  	v4 =	vperm.xlane v3, v0;
	_ =	sdelay $0x1  }
0x3e: {  	v3 =	vperm.xlane v3, v2;
	v4 =	vadd.s32 v1, v4;
	_ =	sdelay $0x1  }
0x3f: {  	v3 =	vadd.s32 v1, v3;
	_ =	sdelay $0x1  }
0x40: {  	s28 =	simm.s32 $0x1180  }
0x41: {  	[tilespmem:s28], [sflag:$0x1] =	stream.indirect_vreg.gather [hbm4b:s1+s21], $0x80, v4, vm0, $0xb8;
	[tilespmem:$0x16180] =	vst v63  }
0x42: {  	s26 =	simm.s32 $0x1980  }
0x43: {  	[tilespmem:s26], [sflag:$0x1] =	stream.indirect_vreg.gather [hbm4b:s1+s21], $0x80, v3, vm0, $0xb8;
	[tilespmem:$0x16180] =	vst v63  }
0x44: {  	v3 =	vld [tilespmem:$0x20];
	_ =	sdelay $0x4  }
0x45: {  	v54 =	vshll.u32 v3, $0x1  }
0x46: {  	v3 =	vand.u32 $0x7, v3;
	v4 =	vand.u32 $0xFFFFFFF0, v54  }
0x47: {  	v3 =	vor.u32 v3, v4  }
0x48: {  	v4 =	vperm.xlane v3, v0;
	_ =	sdelay $0x1  }
0x49: {  	v3 =	vperm.xlane v3, v2;
	v4 =	vadd.s32 v1, v4;
	_ =	sdelay $0x1  }
0x4a: {  	v3 =	vadd.s32 v1, v3;
	_ =	sdelay $0x1  }
0x4b: {  	s28 =	simm.s32 $0x2180  }
0x4c: {  	[tilespmem:s28], [sflag:$0x1] =	stream.indirect_vreg.gather [hbm4b:s1+s21], $0x80, v4, vm0, $0xb8;
	[tilespmem:$0x16180] =	vst v63  }
0x4d: {  	s26 =	simm.s32 $0x2980  }
0x4e: {  	[tilespmem:s26], [sflag:$0x1] =	stream.indirect_vreg.gather [hbm4b:s1+s21], $0x80, v3, vm0, $0xb8;
	[tilespmem:$0x16180] =	vst v63  }
0x4f: {  	v3 =	vld [tilespmem:$0x30];
	_ =	sdelay $0x4  }
0x50: {  	v55 =	vshll.u32 v3, $0x1  }
0x51: {  	v3 =	vand.u32 $0x7, v3;
	v4 =	vand.u32 $0xFFFFFFF0, v55  }
0x52: {  	v3 =	vor.u32 v3, v4  }
0x53: {  	v4 =	vperm.xlane v3, v0;
	_ =	sdelay $0x1  }
0x54: {  	v3 =	vperm.xlane v3, v2;
	v4 =	vadd.s32 v1, v4;
	_ =	sdelay $0x1  }
0x55: {  	v3 =	vadd.s32 v1, v3;
	_ =	sdelay $0x1  }
0x56: {  	s28 =	simm.s32 $0x3180  }
0x57: {  	[tilespmem:s28], [sflag:$0x1] =	stream.indirect_vreg.gather [hbm4b:s1+s21], $0x80, v4, vm0, $0xb8;
	[tilespmem:$0x16180] =	vst v63  }
0x58: {  	s26 =	simm.s32 $0x3980  }
0x59: {  	[tilespmem:s26], [sflag:$0x1] =	stream.indirect_vreg.gather [hbm4b:s1+s21], $0x80, v3, vm0, $0xb8;
	[tilespmem:$0x16180] =	vst v63  }
0x5a: {  	v3 =	vld [tilespmem:$0x80];
	_ =	sdelay $0x4  }
0x5b: {  	v56 =	vshll.u32 v3, $0x1  }
0x5c: {  	v3 =	vand.u32 $0x7, v3;
	v4 =	vand.u32 $0xFFFFFFF0, v56  }
0x5d: {  	v3 =	vor.u32 v3, v4  }
0x5e: {  	v4 =	vperm.xlane v3, v0;
	_ =	sdelay $0x1  }
0x5f: {  	v3 =	vperm.xlane v3, v2;
	v4 =	vadd.s32 v1, v4;
	_ =	sdelay $0x1  }
0x60: {  	v3 =	vadd.s32 v1, v3;
	_ =	sdelay $0x1  }
0x61: {  	s28 =	simm.s32 $0x4180  }
0x62: {  	[tilespmem:s28], [sflag:$0x1] =	stream.indirect_vreg.gather [hbm4b:s1+s21], $0x80, v4, vm0, $0xb8;
	[tilespmem:$0x16180] =	vst v63  }
0x63: {  	s26 =	simm.s32 $0x4980  }
0x64: {  	[tilespmem:s26], [sflag:$0x1] =	stream.indirect_vreg.gather [hbm4b:s1+s21], $0x80, v3, vm0, $0xb8;
	[tilespmem:$0x16180] =	vst v63  }
0x65: {  	v3 =	vld [tilespmem:$0x90];
	_ =	sdelay $0x4  }
0x66: {  	v57 =	vshll.u32 v3, $0x1  }
0x67: {  	v3 =	vand.u32 $0x7, v3;
	v4 =	vand.u32 $0xFFFFFFF0, v57  }
0x68: {  	v3 =	vor.u32 v3, v4  }
0x69: {  	v4 =	vperm.xlane v3, v0;
	_ =	sdelay $0x1  }
0x6a: {  	v3 =	vperm.xlane v3, v2;
	v4 =	vadd.s32 v1, v4;
	_ =	sdelay $0x1  }
0x6b: {  	v3 =	vadd.s32 v1, v3;
	_ =	sdelay $0x1  }
0x6c: {  	s28 =	simm.s32 $0x5180  }
0x6d: {  	[tilespmem:s28], [sflag:$0x1] =	stream.indirect_vreg.gather [hbm4b:s1+s21], $0x80, v4, vm0, $0xb8;
	[tilespmem:$0x16180] =	vst v63  }
0x6e: {  	s26 =	simm.s32 $0x5980  }
0x6f: {  	[tilespmem:s26], [sflag:$0x1] =	stream.indirect_vreg.gather [hbm4b:s1+s21], $0x80, v3, vm0, $0xb8;
	[tilespmem:$0x16180] =	vst v63  }
0x70: {  	v3 =	vld [tilespmem:$0xA0];
	_ =	sdelay $0x4  }
0x71: {  	v58 =	vshll.u32 v3, $0x1  }
0x72: {  	v3 =	vand.u32 $0x7, v3;
	v4 =	vand.u32 $0xFFFFFFF0, v58  }
0x73: {  	v3 =	vor.u32 v3, v4  }
0x74: {  	v4 =	vperm.xlane v3, v0;
	_ =	sdelay $0x1  }
0x75: {  	v3 =	vperm.xlane v3, v2;
	v4 =	vadd.s32 v1, v4;
	_ =	sdelay $0x1  }
0x76: {  	v3 =	vadd.s32 v1, v3;
	_ =	sdelay $0x1  }
0x77: {  	s28 =	simm.s32 $0x6180  }
0x78: {  	[tilespmem:s28], [sflag:$0x1] =	stream.indirect_vreg.gather [hbm4b:s1+s21], $0x80, v4, vm0, $0xb8;
	[tilespmem:$0x16180] =	vst v63  }
0x79: {  	_ = 	snop  }
0x7a: {  	[tilespmem:s29], [sflag:$0x1] =	stream.indirect_vreg.gather [hbm4b:s1+s21], $0x80, v3, vm0, $0xb8;
	[tilespmem:$0x16180] =	vst v63  }
0x7b: {  	v3 =	vld [tilespmem:$0xB0];
	_ =	sdelay $0x4  }
0x7c: {  	v59 =	vshll.u32 v3, $0x1  }
0x7d: {  	v3 =	vand.u32 $0x7, v3;
	v4 =	vand.u32 $0xFFFFFFF0, v59  }
0x7e: {  	v3 =	vor.u32 v3, v4  }
0x7f: {  	v4 =	vperm.xlane v3, v0;
	_ =	sdelay $0x1  }
0x80: {  	v3 =	vperm.xlane v3, v2;
	v4 =	vadd.s32 v1, v4;
	_ =	sdelay $0x1  }
0x81: {  	v3 =	vadd.s32 v1, v3;
	_ =	sdelay $0x2  }
0x82: {  	[tilespmem:s30], [sflag:$0x1] =	stream.indirect_vreg.gather [hbm4b:s1+s21], $0x80, v4, vm0, $0xb8;
	[tilespmem:$0x16180] =	vst v63  }
0x83: {  	_ = 	snop  }
0x84: {  	[tilespmem:s31], [sflag:$0x1] =	stream.indirect_vreg.gather [hbm4b:s1+s21], $0x80, v3, vm0, $0xb8;
	[tilespmem:$0x16180] =	vst v63  }
0x85: {  	v3 =	vld [tilespmem:$0x100];
	_ =	sdelay $0x4  }
0x86: {  	v60 =	vshll.u32 v3, $0x1  }
0x87: {  	v3 =	vand.u32 $0x7, v3;
	v4 =	vand.u32 $0xFFFFFFF0, v60  }
0x88: {  	v3 =	vor.u32 v3, v4  }
0x89: {  	v4 =	vperm.xlane v3, v0;
	_ =	sdelay $0x1  }
0x8a: {  	v3 =	vperm.xlane v3, v2;
	v4 =	vadd.s32 v1, v4;
	_ =	sdelay $0x1  }
0x8b: {  	v3 =	vadd.s32 v1, v3;
	_ =	sdelay $0x2  }
0x8c: {  	[tilespmem:s0], [sflag:$0x1] =	stream.indirect_vreg.gather [hbm4b:s1+s21], $0x80, v4, vm0, $0xb8;
	[tilespmem:$0x16180] =	vst v63  }
0x8d: {  	_ = 	snop  }
0x8e: {  	[tilespmem:s3], [sflag:$0x1] =	stream.indirect_vreg.gather [hbm4b:s1+s21], $0x80, v3, vm0, $0xb8;
	[tilespmem:$0x16180] =	vst v63  }
0x8f: {  	v3 =	vld [tilespmem:$0x110];
	_ =	sdelay $0x4  }
0x90: {  	v61 =	vshll.u32 v3, $0x1  }
0x91: {  	v3 =	vand.u32 $0x7, v3;
	v4 =	vand.u32 $0xFFFFFFF0, v61  }
0x92: {  	v3 =	vor.u32 v3, v4  }
0x93: {  	v4 =	vperm.xlane v3, v0;
	_ =	sdelay $0x1  }
0x94: {  	v3 =	vperm.xlane v3, v2;
	v4 =	vadd.s32 v1, v4;
	_ =	sdelay $0x1  }
0x95: {  	v3 =	vadd.s32 v1, v3;
	_ =	sdelay $0x2  }
0x96: {  	[tilespmem:s11], [sflag:$0x1] =	stream.indirect_vreg.gather [hbm4b:s1+s21], $0x80, v4, vm0, $0xb8;
	[tilespmem:$0x16180] =	vst v63  }
0x97: {  	_ = 	snop  }
0x98: {  	[tilespmem:s2], [sflag:$0x1] =	stream.indirect_vreg.gather [hbm4b:s1+s21], $0x80, v3, vm0, $0xb8;
	[tilespmem:$0x16180] =	vst v63  }
0x99: {  	v3 =	vld [tilespmem:$0x120];
	_ =	sdelay $0x4  }
0x9a: {  	v62 =	vshll.u32 v3, $0x1  }
0x9b: {  	v3 =	vand.u32 $0x7, v3;
	v4 =	vand.u32 $0xFFFFFFF0, v62  }
0x9c: {  	v3 =	vor.u32 v3, v4  }
0x9d: {  	v4 =	vperm.xlane v3, v0;
	_ =	sdelay $0x1  }
0x9e: {  	v3 =	vperm.xlane v3, v2;
	v4 =	vadd.s32 v1, v4;
	_ =	sdelay $0x1  }
0x9f: {  	v3 =	vadd.s32 v1, v3;
	_ =	sdelay $0x2  }
0xa0: {  	[tilespmem:s13], [sflag:$0x1] =	stream.indirect_vreg.gather [hbm4b:s1+s21], $0x80, v4, vm0, $0xb8;
	[tilespmem:$0x16180] =	vst v63  }
0xa1: {  	_ = 	snop  }
0xa2: {  	[tilespmem:s14], [sflag:$0x1] =	stream.indirect_vreg.gather [hbm4b:s1+s21], $0x80, v3, vm0, $0xb8;
	[tilespmem:$0x16180] =	vst v63  }
0xa3: {  	v3 =	vld [tilespmem:$0x130];
	_ =	sdelay $0x4  }
0xa4: {  	v63 =	vshll.u32 v3, $0x1  }
0xa5: {  	v3 =	vand.u32 $0x7, v3;
	v4 =	vand.u32 $0xFFFFFFF0, v63  }
0xa6: {  	v3 =	vor.u32 v3, v4  }
0xa7: {  	v4 =	vperm.xlane v3, v0;
	_ =	sdelay $0x1  }
0xa8: {  	v3 =	vperm.xlane v3, v2;
	v4 =	vadd.s32 v1, v4;
	_ =	sdelay $0x1  }
0xa9: {  	v3 =	vadd.s32 v1, v3;
	_ =	sdelay $0x2  }
0xaa: {  	[tilespmem:s15], [sflag:$0x1] =	stream.indirect_vreg.gather [hbm4b:s1+s21], $0x80, v4, vm0, $0xb8;
	[tilespmem:$0x16180] =	vst v63  }
0xab: {  	_ = 	snop  }
0xac: {  	[tilespmem:s16], [sflag:$0x1] =	stream.indirect_vreg.gather [hbm4b:s1+s21], $0x80, v3, vm0, $0xb8;
	[tilespmem:$0x16180] =	vst v63  }
0xad: {  	_ =	swait.ge [sflag:s17], $0x4000  }
0xae: {  	[sflag:s17] =	ssyncset.done $0x0  }
0xaf: {  	[sflag:s17] =	ssyncadd.s32 $0xFFFFC000  }
0xb0: {  	_ =	swait.ge [sflag:s17], $0x4000  }
0xb1: {  	[sflag:s17] =	ssyncset.done $0x0  }
0xb2: {  	[sflag:s17] =	ssyncadd.s32 $0xFFFFC000  }
0xb3: {  	_ =	swait.ge [sflag:s17], $0x4000  }
0xb4: {  	[sflag:s17] =	ssyncset.done $0x0  }
0xb5: {  	s25 =	simm.s32 $0x0;
	[sflag:s17] =	ssyncadd.s32 $0xFFFFC000  }
.LBB2_3:
0xb6: {  	v5 =	vld [tilespmem:s22+$0x0]  }
0xb7: {  	v4 =	vld [tilespmem:s23+$0x0];
	s26 =	sand.u32 $0x3800, s21;
	s28 =	sand.u32 $0x380, s25  }
0xb8: {  	v3 =	vld [tilespmem:s24+$0x0];
	s26 =	sor.u32 s28, s26  }
0xb9: {  	v6 =	vld [tilespmem:s26+$0x180]  }
0xba: {  	v7 =	vld [tilespmem:s26+$0x4180]  }
0xbb: {  	v8 =	vld [tilespmem:s26+$0x8180]  }
0xbc: {  	v9 =	vld [tilespmem:s26+$0x190]  }
0xbd: {  	v10 =	vld [tilespmem:s26+$0x4190]  }
0xbe: {  	v11 =	vld [tilespmem:s26+$0x8190]  }
0xbf: {  	v12 =	vld [tilespmem:s26+$0x1A0]  }
0xc0: {  	v13 =	vld [tilespmem:s26+$0x41A0]  }
0xc1: {  	v14 =	vld [tilespmem:s26+$0x81A0]  }
0xc2: {  	v15 =	vld [tilespmem:s26+$0x1B0]  }
0xc3: {  	v16 =	vld [tilespmem:s26+$0x41B0]  }
0xc4: {  	v17 =	vld [tilespmem:s26+$0x81B0]  }
0xc5: {  	v18 =	vld [tilespmem:s26+$0x1C0]  }
0xc6: {  	v19 =	vld [tilespmem:s26+$0x41C0]  }
0xc7: {  	v20 =	vld [tilespmem:s26+$0x81C0]  }
0xc8: {  	v21 =	vld [tilespmem:s26+$0x1D0]  }
0xc9: {  	v22 =	vld [tilespmem:s26+$0x41D0]  }
0xca: {  	v23 =	vld [tilespmem:s26+$0x81D0]  }
0xcb: {  	v24 =	vld [tilespmem:s26+$0x1E0]  }
0xcc: {  	v25 =	vld [tilespmem:s26+$0x41E0]  }
0xcd: {  	v26 =	vld [tilespmem:s26+$0x81E0]  }
0xce: {  	v27 =	vld [tilespmem:s26+$0x1F0]  }
0xcf: {  	v28 =	vld [tilespmem:s26+$0x41F0]  }
0xd0: {  	v29 =	vld [tilespmem:s26+$0x81F0];
	v6 =	vmul.f32 v6, v5;
	v7 =	vmul.f32 v7, v4  }
0xd1: {  	v30 =	vld [tilespmem:s26+$0x580];
	v8 =	vmul.f32 v8, v3;
	v9 =	vmul.f32 v9, v5  }
0xd2: {  	v31 =	vld [tilespmem:s26+$0x4580];
	v10 =	vmul.f32 v10, v4;
	v11 =	vmul.f32 v11, v3  }
0xd3: {  	v32 =	vld [tilespmem:s26+$0x8580];
	v61 =	vmul.f32 v12, v5;
	v62 =	vmul.f32 v13, v4  }
0xd4: {  	v33 =	vld [tilespmem:s26+$0x590];
	v63 =	vmul.f32 v15, v5;
	v35 =	vmul.f32 v16, v4  }
0xd5: {  	v34 =	vld [tilespmem:s26+$0x4590];
	v36 =	vmul.f32 v14, v3;
	v37 =	vmul.f32 v17, v3  }
0xd6: {  	v40 =	vld [tilespmem:s26+$0x5B0];
	v38 =	vmul.f32 v18, v5;
	v39 =	vmul.f32 v19, v4  }
0xd7: {  	v43 =	vld [tilespmem:s26+$0x45B0];
	v41 =	vmul.f32 v21, v5;
	v42 =	vmul.f32 v22, v4  }
0xd8: {  	v46 =	vld [tilespmem:s26+$0x85B0];
	v44 =	vmul.f32 v20, v3;
	v45 =	vmul.f32 v23, v3  }
0xd9: {  	v49 =	vld [tilespmem:s26+$0x5C0];
	v47 =	vmul.f32 v24, v5;
	v48 =	vmul.f32 v25, v4  }
0xda: {  	v52 =	vld [tilespmem:s26+$0x45C0];
	v50 =	vmul.f32 v26, v3;
	v51 =	vmul.f32 v27, v5  }
0xdb: {  	v57 =	vld [tilespmem:s26+$0x5D0];
	v53 =	vmul.f32 v28, v4;
	v54 =	vmul.f32 v29, v3  }
0xdc: {  	v60 =	vld [tilespmem:s26+$0x45D0];
	v55 =	vmul.f32 v30, v5;
	v56 =	vmul.f32 v31, v4;
	v6 =	vadd.f32 v7, v6  }
0xdd: {  	v13 =	vld [tilespmem:s26+$0x8590];
	v58 =	vmul.f32 v33, v5;
	v9 =	vadd.f32 v10, v9;
	v7 =	vadd.f32 v62, v61  }
0xde: {  	v16 =	vld [tilespmem:s26+$0x5A0];
	v59 =	vmul.f32 v34, v4;
	v10 =	vadd.f32 v35, v63;
	v18 =	vadd.f32 v48, v47  }
0xdf: {  	v12 =	vld [tilespmem:s26+$0x45A0];
	v20 =	vadd.f32 v53, v51;
	v62 =	vadd.f32 v56, v55;
	v63 =	vmul.f32 v32, v3  }
0xe0: {  	v14 =	vld [tilespmem:s26+$0x85A0];
	v33 =	vadd.f32 v59, v58;
	v47 =	vmul.f32 v49, v5;
	v6 =	vadd.f32 v8, v6  }
0xe1: {  	v27 =	vld [tilespmem:s26+$0x85C0];
	v48 =	vmul.f32 v52, v4;
	v9 =	vadd.f32 v11, v9;
	v7 =	vadd.f32 v36, v7  }
0xe2: {  	v34 =	vld [tilespmem:s26+$0x5E0];
	v51 =	vmul.f32 v57, v5;
	v10 =	vadd.f32 v37, v10;
	v8 =	vadd.f32 v39, v38;
	[tilespmem:s26+$0x12180] =	vst v6  }
0xe3: {  	v28 =	vld [tilespmem:s26+$0x85D0];
	v55 =	vmul.f32 v60, v4;
	v11 =	vadd.f32 v42, v41;
	v61 =	vadd.f32 v50, v18;
	[tilespmem:s26+$0x12190] =	vst v9  }
0xe4: {  	v32 =	vadd.f32 v54, v20;
	v35 =	vadd.f32 v63, v62;
	v37 =	vld [tilespmem:s26+$0x5F0];
	v39 =	vmul.f32 v40, v5;
	[tilespmem:s26+$0x121A0] =	vst v7  }
0xe5: {  	v40 =	vmul.f32 v43, v4;
	v41 =	vld [tilespmem:s26+$0x45E0];
	v56 =	vadd.f32 v48, v47;
	v13 =	vmul.f32 v13, v3;
	[tilespmem:s26+$0x121B0] =	vst v10  }
0xe6: {  	v36 =	vmul.f32 v16, v5;
	v12 =	vmul.f32 v12, v4;
	v11 =	vadd.f32 v45, v11;
	v45 =	vld [tilespmem:s26+$0x45F0];
	[tilespmem:s26+$0x121E0] =	vst v61  }
0xe7: {  	v49 =	vld [tilespmem:s26+$0x85E0];
	v43 =	vmul.f32 v14, v3;
	v52 =	vmul.f32 v34, v5;
	v8 =	vadd.f32 v44, v8;
	[tilespmem:s26+$0x121F0] =	vst v32  }
0xe8: {  	v53 =	vld [tilespmem:s26+$0x85F0];
	v57 =	vmul.f32 v27, v3;
	v44 =	vmul.f32 v46, v3;
	v46 =	vadd.f32 v40, v39;
	[tilespmem:s26+$0x12580] =	vst v35  }
0xe9: {  	v59 =	vmul.f32 v28, v3;
	v38 =	vadd.f32 v13, v33;
	v42 =	vadd.f32 v12, v36;
	[tilespmem:s26+$0x121C0] =	vst v8  }
0xea: {  	v60 =	vadd.f32 v57, v56;
	[tilespmem:s26+$0x121D0] =	vst v11;
	v54 =	vadd.f32 v44, v46;
	v58 =	vmul.f32 v41, v4  }
0xeb: {  	v8 =	vadd.f32 v55, v51;
	v5 =	vmul.f32 v37, v5;
	[tilespmem:s26+$0x12590] =	vst v38;
	v4 =	vmul.f32 v45, v4  }
0xec: {  	p0 =	sne.s32 s25, $0x1F80;
	v62 =	vmul.f32 v49, v3;
	v50 =	vadd.f32 v43, v42;
	[tilespmem:s26+$0x125C0] =	vst v60;
	v61 =	vadd.f32 v58, v52  }
.Ltmp0:
0xed: {  	v3 =	vmul.f32 v53, v3;
	[tilespmem:s26+$0x125B0] =	vst v54;
	v8 =	vadd.f32 v59, v8;
	v4 =	vadd.f32 v4, v5;
	(pc) =	sbr.rel @p0 .LBB2_3-.Ltmp0, $4  }
0xee: {  	[tilespmem:s26+$0x125A0] =	vst v50;
	v63 =	vadd.f32 v62, v61  }
0xef: {  	[tilespmem:s26+$0x125D0] =	vst v8;
	v3 =	vadd.f32 v3, v4  }
0xf0: {  	s21 =	sadd.s32 $0x100, s21;
	s22 =	sadd.s32 $0x80, s22;
	[tilespmem:s26+$0x125E0] =	vst v63  }
0xf1: {  	s23 =	sadd.s32 $0x80, s23;
	s24 =	sadd.s32 $0x80, s24;
	s25 =	sadd.s32 $0x80, s25;
	[tilespmem:s26+$0x125F0] =	vst v3  }
0xf2: {  	s19 =	sadd.s32 $0x1, s19  }
0xf3: {  	s20 =	sshll.u32 s20, $0x5;
	p0 =	sne.s32 s19, $0x10  }
.Ltmp1:
0xf4: {  	s21 =	simm.s32 $0x0;
	s20 =	sadd.s32 s6, s20;
	(pc) =	sbr.rel @p0 .LBB2_2-.Ltmp1, $4  }
0xf5: {  	[hbm4b:s20+s21] =	stream.linear.scatter [tilespmem:s18], [sflag:$0x2], $0x4000, $0x38;
	[tilespmem:$0x16180] =	vst v63  }
0xf6: {  	_ =	swait.ge [sflag:s12], $0x4000  }
0xf7: {  	[sflag:s12] =	ssyncset.done $0x0  }
0xf8: {  	[sflag:s12] =	ssyncadd.s32 $0xFFFFC000  }
0xf9: {  	s20 =	rddreg [dreg:$0x4]  }
0xfa: {  	s19 =	rddreg [dreg:$0x3];
	s20 =	sadd.s32 $0x1, s20  }
0xfb: {  	p0 =	sne.s32 s20, s19  }
.Ltmp2:
0xfc: {  	_ = 	snop;
	(pc) =	sbr.rel @p0 .LBB2_1-.Ltmp2, $1  }
0xfd: {  	_ =	sdelay $0x3  }
0xfe: {  	_ =	sfence.sel $0x180000  }
0xff: {  	[bflag:$0x0] =	sbarrier.arrive $0xFFFF  }
0x100: {  	_ =	strace $0x90000047  }
0x101: {  	s0 =	stileid.u32;
	[bflag:$0x2] =	sbarrier.arrive $0xFFFF  }
0x102: {  	p0 =	sne.s32 s0, $0x0;
	s0 =	rddreg [dreg:$0x2]  }
0x103: {  	s0 =	sadd.s32 @!p0 $0x100000, s0  }
0x104: {  	[sflag:s0] =	ssyncadd.tile.s32 @!p0 $0x1;
	_ =	shalt  }
.Lfunc_end2:
_tile_overlayer_lowered:
.L_overlay_start_2:
0x105: {  	(tag) =	ssettag $0x2  }
0x106: {  	s0 =	rddreg [dreg:$0x0];
	s2 =	stileid.u32  }
0x107: {  	s1 =	rddreg [dreg:$0x1];
	p0 =	sne.s32 s2, $0x0  }
0x108: {  	s3 =	rddreg [dreg:$0x2];
	[bflag:$0x3] =	sbarrier.arrive $0xFFFF;
	s2 =	simm.s32 @!p0 $0x1C02  }
0x109: {  	[timem:s3], [sflag:s2] =	dma.local @!p0 [hbm:s0], s1  }
0x10a: {  	s0 =	simm.s32 @!p0 $0x2  }
0x10b: {  	_ =	swait.ge @!p0 [sflag:s0], s1  }
0x10c: {  	s1 =	ssub.s32 @!p0 $0x0, s1;
	[sflag:s0] =	ssyncset.done @!p0 $0x0  }
0x10d: {  	[sflag:s0] =	ssyncadd.s32 @!p0 s1  }
0x10e: {  	[bflag:$0x3] =	sbarrier.arrive $0xFFFF  }
0x10f: {  	_ =	shalt  }

</sc_bundles>
